<compile_context>
chip_gen: v7x
topology: tpu7x:2x2x1
jax: 0.10.2.dev20260603
libtpu: 0.0.44.dev20260713+nightly
codegen_flags: <defaults>
</compile_context>

<pallas_src>
import functools

import jax
import jax.numpy as jnp
from jax import lax
from jax.experimental import pallas as pl
from jax.experimental.pallas import tpu as pltpu
from jax.experimental.pallas import tpu_sc as plsc
from jax._src.pallas import mpmd as _mpmd

_CAPACITY_FACTOR = 1.25
_MIN_CAPACITY = 4
_EPS = 1e-9
_THRESH1 = 0.2
_NTILES = 32

_INTERPRET = False


def _routing_body(cap, x_ref, w_ref, p1_ref,
                  i1_ref, r0m_ref, g1_ref, i2_ref, r1m_ref, g2_ref,
                  stats_ref):
    t = x_ref.shape[1]
    e = w_ref.shape[1]
    j = pl.program_id(1)
    cap_f = float(cap)

    @pl.when(j == 0)
    def _init():
        stats_ref[...] = jnp.zeros_like(stats_ref)

    xb = x_ref[0]
    logits = jnp.dot(xb, w_ref[...], preferred_element_type=jnp.float32)
    m = jnp.max(logits, axis=-1, keepdims=True)
    ex = jnp.exp(logits - m)
    s = jnp.sum(ex, axis=-1, keepdims=True)
    raw = ex / s
    lse = jnp.log(s) + m
    zblk = jnp.sum(lse * lse)

    eidx = lax.broadcasted_iota(jnp.int32, (t, e), 1)
    m1 = jnp.max(raw, axis=-1, keepdims=True)
    i1 = jnp.min(jnp.where(raw == m1, eidx, e), axis=-1, keepdims=True)
    raw2 = jnp.where(eidx == i1, -1.0, raw)
    m2 = jnp.max(raw2, axis=-1, keepdims=True)
    i2 = jnp.min(jnp.where(raw2 == m2, eidx, e), axis=-1, keepdims=True)

    denom = jnp.maximum(m1 + m2, _EPS)
    g1n = m1 / denom
    g2n = m2 / denom
    p1 = p1_ref[0]
    route1 = p1 < (g2n / _THRESH1)

    mask0 = (eidx == i1).astype(jnp.float32)
    mask1 = (eidx == i2).astype(jnp.float32) * route1.astype(jnp.float32)

    ti = lax.broadcasted_iota(jnp.int32, (t, t), 0)
    tj = lax.broadcasted_iota(jnp.int32, (t, t), 1)
    tri = (tj < ti).astype(jnp.float32)
    excl0 = jnp.dot(tri, mask0, preferred_element_type=jnp.float32)
    excl1 = jnp.dot(tri, mask1, preferred_element_type=jnp.float32)

    sts = stats_ref[...]
    prev0 = sts[0, 0:1, :]
    prev1 = sts[0, 3:4, :]

    rank0 = jnp.sum((excl0 + prev0) * mask0, axis=-1, keepdims=True)
    rank1 = jnp.sum((excl1 + prev1) * mask1, axis=-1, keepdims=True)
    r0m = jnp.where(rank0 < cap_f, rank0.astype(jnp.int32), -1)
    r1m = jnp.where(route1, rank1, 1e9)

    bsum0 = jnp.sum(mask0, axis=0, keepdims=True)
    bsum1 = jnp.sum(mask1, axis=0, keepdims=True)
    braw = jnp.sum(raw, axis=0, keepdims=True)
    riota = lax.broadcasted_iota(jnp.int32, (1, 8, e), 1)
    liota = lax.broadcasted_iota(jnp.int32, (1, 8, e), 2)
    delta = (jnp.where(riota == 0, bsum0[None], 0.0)
             + jnp.where(riota == 1, braw[None], 0.0)
             + jnp.where(riota == 3, bsum1[None], 0.0)
             + jnp.where((riota == 2) & (liota == 0), zblk, 0.0))
    stats_ref[...] = sts + delta

    i1_ref[...] = i1[None]
    r0m_ref[...] = r0m[None]
    g1_ref[...] = g1n[None]
    i2_ref[...] = i2[None]
    r1m_ref[...] = r1m[None]
    g2_ref[...] = g2n[None]


def _entries_body(cap, n, i1_ref, r0m_ref, g1_ref, i2_ref, r1m_ref, g2_ref,
                  stats_ref, idx0_ref, vc0_ref, vd0_ref,
                  idx1_ref, vc1_ref, vd1_ref):
    t = i1_ref.shape[1]
    e = stats_ref.shape[2]
    ec = e * cap
    cap_f = float(cap)
    i = pl.program_id(0)
    j = pl.program_id(1)
    row0 = i * n + j * t
    rows = row0 + lax.broadcasted_iota(jnp.int32, (t, 1), 0)

    total0 = stats_ref[0, 0:1, :]
    count0 = jnp.minimum(total0, cap_f)
    i2t = i2_ref[0]
    eidx = lax.broadcasted_iota(jnp.int32, (t, e), 1)
    cnt = jnp.sum((eidx == i2t).astype(jnp.float32) * count0,
                  axis=-1, keepdims=True)
    pos1 = r1m_ref[0] + cnt
    acc1 = pos1 < cap_f
    p1i = jnp.where(acc1, pos1, 0.0).astype(jnp.int32)

    i1t = i1_ref[0]
    r0m = r0m_ref[0]
    acc0 = r0m >= 0
    g1t = g1_ref[0]
    g2t = g2_ref[0]

    gidx0 = rows * ec + i1t * cap + jnp.where(acc0, r0m, 0)
    gidx1 = rows * ec + i2t * cap + p1i
    dump = row0 * ec

    own0 = (gidx0[0:1] == dump) & acc0[0:1]
    own1 = (gidx1[0:1] == dump) & acc1[0:1]
    cdv = (jnp.where(own0, g1t[0:1], 0.0)
           + jnp.where(own1, g2t[0:1], 0.0))
    cddv = (cdv != 0.0).astype(jnp.float32)

    idx0_ref[...] = jnp.where(acc0, gidx0, dump)[None]
    vc0_ref[...] = jnp.where(acc0, g1t, cdv)[None]
    vd0_ref[...] = jnp.where(acc0, 1.0, cddv)[None]
    idx1_ref[...] = jnp.where(acc1, gidx1, dump)[None]
    vc1_ref[...] = jnp.where(acc1, g2t, cdv)[None]
    vd1_ref[...] = jnp.where(acc1, 1.0, cddv)[None]


def _sc_scatter_body(m, idx0h, vc0h, vd0h, idx1h, vc1h, vd1h,
                     comb_in, disp_in, comb_ref, disp_ref,
                     i0v, i1v, c0v, d0v, c1v, d1v, sem):
    del comb_in, disp_in
    wid = lax.axis_index("s") * 2 + lax.axis_index("c")
    base = wid * m
    pltpu.sync_copy(idx0h.at[pl.ds(base, m)], i0v)
    pltpu.sync_copy(idx1h.at[pl.ds(base, m)], i1v)
    pltpu.sync_copy(vc0h.at[pl.ds(base, m)], c0v)
    pltpu.sync_copy(vd0h.at[pl.ds(base, m)], d0v)
    pltpu.sync_copy(vc1h.at[pl.ds(base, m)], c1v)
    pltpu.sync_copy(vd1h.at[pl.ds(base, m)], d1v)
    pltpu.async_copy(c0v, comb_ref.at[i0v], sem).wait()
    pltpu.async_copy(c1v, comb_ref.at[i1v], sem).wait()
    pltpu.async_copy(d0v, disp_ref.at[i0v], sem).wait()
    pltpu.async_copy(d1v, disp_ref.at[i1v], sem).wait()


def kernel(x, W):
    b, n, d = x.shape
    e = W.shape[1]
    cap = min(n, int(n * _CAPACITY_FACTOR / e))
    cap = max(cap, _MIN_CAPACITY)
    ec = e * cap

    t1 = min(512, n)
    nb1 = n // t1
    m = (b * n) // _NTILES
    nbm = n // m

    probs = jax.random.uniform(jax.random.key(42), (2, b, n),
                               dtype=jnp.float32)
    p1 = probs[1].reshape(b, n, 1)

    tok = lambda dt: jax.ShapeDtypeStruct((b, n, 1), dt)
    tok_spec1 = pl.BlockSpec((1, t1, 1), lambda i, j: (i, j, 0))
    stats_spec = pl.BlockSpec((1, 8, e), lambda i, j: (i, 0, 0))

    i1, r0m, g1, i2, r1m, g2, stats = pl.pallas_call(
        lambda *refs: _routing_body(cap, *refs),
        grid=(b, nb1),
        in_specs=[
            pl.BlockSpec((1, t1, d), lambda i, j: (i, j, 0)),
            pl.BlockSpec((d, e), lambda i, j: (0, 0)),
            tok_spec1,
        ],
        out_specs=[tok_spec1] * 6 + [stats_spec],
        out_shape=[tok(jnp.int32), tok(jnp.int32), tok(jnp.float32),
                   tok(jnp.int32), tok(jnp.float32), tok(jnp.float32),
                   jax.ShapeDtypeStruct((b, 8, e), jnp.float32)],
        interpret=_INTERPRET,
    )(x, W, p1)

    tok_specm = pl.BlockSpec((1, m, 1), lambda i, j: (i, j, 0))
    idx0, vc0, vd0, idx1, vc1, vd1 = pl.pallas_call(
        lambda *refs: _entries_body(cap, n, *refs),
        grid=(b, nbm),
        in_specs=[tok_specm] * 6 + [stats_spec],
        out_specs=[tok_specm] * 6,
        out_shape=[tok(jnp.int32), tok(jnp.float32), tok(jnp.float32),
                   tok(jnp.int32), tok(jnp.float32), tok(jnp.float32)],
        interpret=_INTERPRET,
    )(i1, r0m, g1, i2, r1m, g2, stats)

    flat = lambda a: a.reshape(b * n)
    comb0 = jnp.zeros((b * n * ec,), jnp.float32)
    disp0 = jnp.full((b * n * ec,), -0.0, jnp.float32)

    mesh = plsc.VectorSubcoreMesh(core_axis_name="c", subcore_axis_name="s")
    big = jax.ShapeDtypeStruct((b * n * ec,), jnp.float32)
    scatter = _mpmd._mpmd_map(
        [(mesh, functools.partial(_sc_scatter_body, m))],
        out_types=[big, big],
        input_output_aliases={6: 0, 7: 1},
        scratch_types=[
            pltpu.VMEM((m,), jnp.int32),
            pltpu.VMEM((m,), jnp.int32),
            pltpu.VMEM((m,), jnp.float32),
            pltpu.VMEM((m,), jnp.float32),
            pltpu.VMEM((m,), jnp.float32),
            pltpu.VMEM((m,), jnp.float32),
            pltpu.SemaphoreType.DMA,
        ],
        interpret=_INTERPRET,
    )
    comb_f, disp_f = scatter(flat(idx0), flat(vc0), flat(vd0),
                             flat(idx1), flat(vc1), flat(vd1), comb0, disp0)

    comb = comb_f
    disp = disp_f
    dispatch_tensor = disp.astype(x.dtype)

    density_1 = stats[:, 0, :] / n
    density_proxy = stats[:, 1, :] / n
    balance_loss = jnp.mean(density_proxy * density_1) * float(e * e)
    router_z_loss = jnp.sum(stats[:, 2, 0]) / (b * n)

    return (dispatch_tensor, comb, balance_loss, router_z_loss)

# --- scband reference (transcript-rebuilt; emitter-appended) ---
"""Pipeline reference for scband-top-ngating-21912923144949 (READ-ONLY COPY).

The authoritative reference and input builder live on the scoring server;
editing this copy changes nothing except your own understanding.
"""

import jax, jax.numpy as jnp
import numpy as np

B, N, D = 2, 4096, 1024
NUM_GATES = 64
TOP_N = 2
EPS = 1e-9
CAPACITY_FACTOR = 1.25  # training mode
MIN_EXPERT_CAPACITY = 4
THRESHOLD = np.array([EPS, 0.2], dtype=np.float32)  # [eps, threshold_train]


def setup_inputs(seed: int = 0) -> dict:
    key = jax.random.key(seed)
    k1, k2 = jax.random.split(key)
    x = jax.random.normal(k1, (B, N, D), dtype=jnp.float32)
    W = jax.random.normal(k2, (D, NUM_GATES), dtype=jnp.float32) * (1.0 / np.sqrt(D))
    return {"x": x, "W": W}


def reference(x, W):
    b, group_size, dim = x.shape
    expert_capacity = min(group_size, int(group_size * CAPACITY_FACTOR / NUM_GATES))
    expert_capacity = max(expert_capacity, MIN_EXPERT_CAPACITY)
    expert_capacity_f = float(expert_capacity)

    gate_logits = x @ W  # [b, n, e]
    raw_gates = jax.nn.softmax(gate_logits, axis=-1)

    # non-differentiable top-k (differentiable_topk=False default)
    gates, gate_indices = jax.lax.top_k(raw_gates, TOP_N)  # [b, n, k]
    gates = jnp.moveaxis(gates, -1, 0)            # [k, b, n]
    gate_indices = jnp.moveaxis(gate_indices, -1, 0)  # [k, b, n]

    one_hot_gate_indices = jax.nn.one_hot(gate_indices, NUM_GATES, dtype=jnp.float32)  # [k, b, n, e]
    mask = one_hot_gate_indices
    mask_1 = mask[0]

    denom = jnp.maximum(jnp.sum(gates, axis=0, keepdims=True), EPS)
    gates = gates / denom

    # stochastic routing probs (uniform(0,1) in torch); fixed key for determinism
    probs = jax.random.uniform(jax.random.key(42), gates.shape, dtype=jnp.float32)
    thr = jnp.asarray(THRESHOLD).reshape(TOP_N, 1, 1)
    should_route = probs < (gates / jnp.maximum(thr, EPS))
    should_route = should_route.at[0].set(True)
    mask = mask * should_route[..., None].astype(jnp.float32)

    # exclusive cumsum along sequence dim (dim=-2)
    mask_cumsum = jnp.cumsum(mask, axis=-2) - mask  # [k, b, n, e]

    positions = []
    new_masks = []
    prev_expert_count = 0.0
    for n in range(TOP_N):
        position_in_expert = (mask_cumsum[n] + prev_expert_count) * mask[n]  # [b, n, e]
        mask_n = mask[n] * (position_in_expert < expert_capacity_f).astype(jnp.float32)
        prev_expert_count = jnp.sum(mask_n, axis=-2, keepdims=True)  # [b, 1, e]
        positions.append(jnp.sum(position_in_expert, axis=-1))  # [b, n]
        new_masks.append(mask_n)
    mask = jnp.stack(new_masks)       # [k, b, n, e]
    positions = jnp.stack(positions)  # [k, b, n]

    mask_flat = jnp.sum(mask, axis=-1)  # [k, b, n]
    gates = gates * mask_flat

    gates_e = gates[..., None, None]          # [k, b, n, 1, 1]
    mask_flat_e = mask_flat[..., None, None]  # [k, b, n, 1, 1]
    oh_e = one_hot_gate_indices[..., None]    # [k, b, n, e, 1]
    # safe_one_hot: out-of-capacity positions get all-zero rows (jax.nn.one_hot does this natively)
    oh_c = jax.nn.one_hot(positions.astype(jnp.int32), expert_capacity, dtype=jnp.float32)[..., None, :]  # [k, b, n, 1, c]

    combine_tensor = jnp.sum(gates_e * mask_flat_e * oh_e * oh_c, axis=0)  # [b, n, e, c]

    dispatch_hard = jax.lax.stop_gradient((combine_tensor != 0).astype(x.dtype))
    # straight_through_dispatch_tensor=True
    dispatch_tensor = dispatch_hard + combine_tensor - jax.lax.stop_gradient(combine_tensor)

    # training-mode aux losses
    density_1 = jnp.mean(mask_1, axis=-2)        # [b, e]
    density_1_proxy = jnp.mean(raw_gates, axis=-2)  # [b, e]
    balance_loss = jnp.mean(density_1_proxy * density_1) * float(NUM_GATES ** 2)

    router_z_loss = jnp.mean(jnp.square(jax.nn.logsumexp(gate_logits, axis=-1)))

    return (dispatch_tensor, combine_tensor, balance_loss, router_z_loss)

if __name__ == "__main__":
    import jax
    _d = setup_inputs()
    print(jax.jit(kernel)(*tuple(_d.values())))

</pallas_src>

<mosaic_0001>
#map = affine_map<(d0, d1) -> (0)>
module attributes {stable_mosaic.version = 14 : i64} {
  func.func @_sc_scatter_body(%arg0: i32, %arg1: i32, %arg2: memref<8192xi32, #tpu.memory_space<hbm>>, %arg3: memref<8192xf32, #tpu.memory_space<hbm>>, %arg4: memref<8192xf32, #tpu.memory_space<hbm>>, %arg5: memref<8192xi32, #tpu.memory_space<hbm>>, %arg6: memref<8192xf32, #tpu.memory_space<hbm>>, %arg7: memref<8192xf32, #tpu.memory_space<hbm>>, %arg8: memref<41943040xf32, #tpu.memory_space<hbm>>, %arg9: memref<41943040xf32, #tpu.memory_space<hbm>>, %arg10: memref<41943040xf32, #tpu.memory_space<hbm>>, %arg11: memref<41943040xf32, #tpu.memory_space<hbm>>, %arg12: memref<256xi32, #tpu.memory_space<vmem>>, %arg13: memref<256xi32, #tpu.memory_space<vmem>>, %arg14: memref<256xf32, #tpu.memory_space<vmem>>, %arg15: memref<256xf32, #tpu.memory_space<vmem>>, %arg16: memref<256xf32, #tpu.memory_space<vmem>>, %arg17: memref<256xf32, #tpu.memory_space<vmem>>, %arg18: memref<!tpu.dma_semaphore, #tpu.memory_space<semaphore_mem>>) attributes {dimension_semantics = [#tpu.dimension_semantics<core_parallel>, #tpu.dimension_semantics<subcore_parallel>], iteration_bounds = array<i64: 2, 16>, scalar_prefetch = 0 : i64, scratch_operands = 7 : i64, tpu.core_type = #tpu.core_type<sc_vector_subcore>, window_params = [{transform_indices = #map}, {transform_indices = #map}, {transform_indices = #map}, {transform_indices = #map}, {transform_indices = #map}, {transform_indices = #map}, {transform_indices = #map}, {transform_indices = #map}, {transform_indices = #map}, {transform_indices = #map}]} {
    %mul3A = arith.constant 2 : i32
    %mul3A_0 = arith.muli %arg1, %mul3A : i32
    %add3A = arith.addi %mul3A_0, %arg0 : i32
    %mul3A_1 = arith.constant 256 : i32
    %mul3A_2 = arith.muli %add3A, %mul3A_1 : i32
    "tpu.region"() ({
      %run_scoped3A = tpu.sem_alloc : memref<!tpu.dma_semaphore, #tpu.memory_space<semaphore_mem>>
      %dma_start3A_17 = tpu.memref_slice %arg2[%mul3A_2] : memref<8192xi32, #tpu.memory_space<hbm>> -> memref<256xi32, #tpu.memory_space<hbm>>
      %dma_start3A_18 = tpu.memref_slice %arg2[%mul3A_2] : memref<8192xi32, #tpu.memory_space<hbm>> -> memref<256xi32, #tpu.memory_space<hbm>>
      tpu.enqueue_dma source(%dma_start3A_18 : memref<256xi32, #tpu.memory_space<hbm>>) target(%arg12 : memref<256xi32, #tpu.memory_space<vmem>>) target_semaphore(%run_scoped3A : memref<!tpu.dma_semaphore, #tpu.memory_space<semaphore_mem>>)
      %dma_wait3A_19 = tpu.memref_slice %arg2[%mul3A_2] : memref<8192xi32, #tpu.memory_space<hbm>> -> memref<256xi32, #tpu.memory_space<hbm>>
      %dma_wait3A_20 = tpu.memref_slice %arg2[%mul3A_2] : memref<8192xi32, #tpu.memory_space<hbm>> -> memref<256xi32, #tpu.memory_space<hbm>>
      tpu.wait_dma2 semaphore(%run_scoped3A : memref<!tpu.dma_semaphore, #tpu.memory_space<semaphore_mem>>) src(%dma_wait3A_20 : memref<256xi32, #tpu.memory_space<hbm>>) dst(%arg12 : memref<256xi32, #tpu.memory_space<vmem>>)
      tpu.yield
    }) : () -> ()
    "tpu.region"() ({
      %run_scoped3A = tpu.sem_alloc : memref<!tpu.dma_semaphore, #tpu.memory_space<semaphore_mem>>
      %dma_start3A_17 = tpu.memref_slice %arg5[%mul3A_2] : memref<8192xi32, #tpu.memory_space<hbm>> -> memref<256xi32, #tpu.memory_space<hbm>>
      %dma_start3A_18 = tpu.memref_slice %arg5[%mul3A_2] : memref<8192xi32, #tpu.memory_space<hbm>> -> memref<256xi32, #tpu.memory_space<hbm>>
      tpu.enqueue_dma source(%dma_start3A_18 : memref<256xi32, #tpu.memory_space<hbm>>) target(%arg13 : memref<256xi32, #tpu.memory_space<vmem>>) target_semaphore(%run_scoped3A : memref<!tpu.dma_semaphore, #tpu.memory_space<semaphore_mem>>)
      %dma_wait3A_19 = tpu.memref_slice %arg5[%mul3A_2] : memref<8192xi32, #tpu.memory_space<hbm>> -> memref<256xi32, #tpu.memory_space<hbm>>
      %dma_wait3A_20 = tpu.memref_slice %arg5[%mul3A_2] : memref<8192xi32, #tpu.memory_space<hbm>> -> memref<256xi32, #tpu.memory_space<hbm>>
      tpu.wait_dma2 semaphore(%run_scoped3A : memref<!tpu.dma_semaphore, #tpu.memory_space<semaphore_mem>>) src(%dma_wait3A_20 : memref<256xi32, #tpu.memory_space<hbm>>) dst(%arg13 : memref<256xi32, #tpu.memory_space<vmem>>)
      tpu.yield
    }) : () -> ()
    "tpu.region"() ({
      %run_scoped3A = tpu.sem_alloc : memref<!tpu.dma_semaphore, #tpu.memory_space<semaphore_mem>>
      %dma_start3A_17 = tpu.memref_slice %arg3[%mul3A_2] : memref<8192xf32, #tpu.memory_space<hbm>> -> memref<256xf32, #tpu.memory_space<hbm>>
      %dma_start3A_18 = tpu.memref_slice %arg3[%mul3A_2] : memref<8192xf32, #tpu.memory_space<hbm>> -> memref<256xf32, #tpu.memory_space<hbm>>
      tpu.enqueue_dma source(%dma_start3A_18 : memref<256xf32, #tpu.memory_space<hbm>>) target(%arg14 : memref<256xf32, #tpu.memory_space<vmem>>) target_semaphore(%run_scoped3A : memref<!tpu.dma_semaphore, #tpu.memory_space<semaphore_mem>>)
      %dma_wait3A_19 = tpu.memref_slice %arg3[%mul3A_2] : memref<8192xf32, #tpu.memory_space<hbm>> -> memref<256xf32, #tpu.memory_space<hbm>>
      %dma_wait3A_20 = tpu.memref_slice %arg3[%mul3A_2] : memref<8192xf32, #tpu.memory_space<hbm>> -> memref<256xf32, #tpu.memory_space<hbm>>
      tpu.wait_dma2 semaphore(%run_scoped3A : memref<!tpu.dma_semaphore, #tpu.memory_space<semaphore_mem>>) src(%dma_wait3A_20 : memref<256xf32, #tpu.memory_space<hbm>>) dst(%arg14 : memref<256xf32, #tpu.memory_space<vmem>>)
      tpu.yield
    }) : () -> ()
    "tpu.region"() ({
      %run_scoped3A = tpu.sem_alloc : memref<!tpu.dma_semaphore, #tpu.memory_space<semaphore_mem>>
      %dma_start3A_17 = tpu.memref_slice %arg4[%mul3A_2] : memref<8192xf32, #tpu.memory_space<hbm>> -> memref<256xf32, #tpu.memory_space<hbm>>
      %dma_start3A_18 = tpu.memref_slice %arg4[%mul3A_2] : memref<8192xf32, #tpu.memory_space<hbm>> -> memref<256xf32, #tpu.memory_space<hbm>>
      tpu.enqueue_dma source(%dma_start3A_18 : memref<256xf32, #tpu.memory_space<hbm>>) target(%arg15 : memref<256xf32, #tpu.memory_space<vmem>>) target_semaphore(%run_scoped3A : memref<!tpu.dma_semaphore, #tpu.memory_space<semaphore_mem>>)
      %dma_wait3A_19 = tpu.memref_slice %arg4[%mul3A_2] : memref<8192xf32, #tpu.memory_space<hbm>> -> memref<256xf32, #tpu.memory_space<hbm>>
      %dma_wait3A_20 = tpu.memref_slice %arg4[%mul3A_2] : memref<8192xf32, #tpu.memory_space<hbm>> -> memref<256xf32, #tpu.memory_space<hbm>>
      tpu.wait_dma2 semaphore(%run_scoped3A : memref<!tpu.dma_semaphore, #tpu.memory_space<semaphore_mem>>) src(%dma_wait3A_20 : memref<256xf32, #tpu.memory_space<hbm>>) dst(%arg15 : memref<256xf32, #tpu.memory_space<vmem>>)
      tpu.yield
    }) : () -> ()
    "tpu.region"() ({
      %run_scoped3A = tpu.sem_alloc : memref<!tpu.dma_semaphore, #tpu.memory_space<semaphore_mem>>
      %dma_start3A_17 = tpu.memref_slice %arg6[%mul3A_2] : memref<8192xf32, #tpu.memory_space<hbm>> -> memref<256xf32, #tpu.memory_space<hbm>>
      %dma_start3A_18 = tpu.memref_slice %arg6[%mul3A_2] : memref<8192xf32, #tpu.memory_space<hbm>> -> memref<256xf32, #tpu.memory_space<hbm>>
      tpu.enqueue_dma source(%dma_start3A_18 : memref<256xf32, #tpu.memory_space<hbm>>) target(%arg16 : memref<256xf32, #tpu.memory_space<vmem>>) target_semaphore(%run_scoped3A : memref<!tpu.dma_semaphore, #tpu.memory_space<semaphore_mem>>)
      %dma_wait3A_19 = tpu.memref_slice %arg6[%mul3A_2] : memref<8192xf32, #tpu.memory_space<hbm>> -> memref<256xf32, #tpu.memory_space<hbm>>
      %dma_wait3A_20 = tpu.memref_slice %arg6[%mul3A_2] : memref<8192xf32, #tpu.memory_space<hbm>> -> memref<256xf32, #tpu.memory_space<hbm>>
      tpu.wait_dma2 semaphore(%run_scoped3A : memref<!tpu.dma_semaphore, #tpu.memory_space<semaphore_mem>>) src(%dma_wait3A_20 : memref<256xf32, #tpu.memory_space<hbm>>) dst(%arg16 : memref<256xf32, #tpu.memory_space<vmem>>)
      tpu.yield
    }) : () -> ()
    "tpu.region"() ({
      %run_scoped3A = tpu.sem_alloc : memref<!tpu.dma_semaphore, #tpu.memory_space<semaphore_mem>>
      %dma_start3A_17 = tpu.memref_slice %arg7[%mul3A_2] : memref<8192xf32, #tpu.memory_space<hbm>> -> memref<256xf32, #tpu.memory_space<hbm>>
      %dma_start3A_18 = tpu.memref_slice %arg7[%mul3A_2] : memref<8192xf32, #tpu.memory_space<hbm>> -> memref<256xf32, #tpu.memory_space<hbm>>
      tpu.enqueue_dma source(%dma_start3A_18 : memref<256xf32, #tpu.memory_space<hbm>>) target(%arg17 : memref<256xf32, #tpu.memory_space<vmem>>) target_semaphore(%run_scoped3A : memref<!tpu.dma_semaphore, #tpu.memory_space<semaphore_mem>>)
      %dma_wait3A_19 = tpu.memref_slice %arg7[%mul3A_2] : memref<8192xf32, #tpu.memory_space<hbm>> -> memref<256xf32, #tpu.memory_space<hbm>>
      %dma_wait3A_20 = tpu.memref_slice %arg7[%mul3A_2] : memref<8192xf32, #tpu.memory_space<hbm>> -> memref<256xf32, #tpu.memory_space<hbm>>
      tpu.wait_dma2 semaphore(%run_scoped3A : memref<!tpu.dma_semaphore, #tpu.memory_space<semaphore_mem>>) src(%dma_wait3A_20 : memref<256xf32, #tpu.memory_space<hbm>>) dst(%arg17 : memref<256xf32, #tpu.memory_space<vmem>>)
      tpu.yield
    }) : () -> ()
    %dma_start3A = arith.constant 0 : i32
    %dma_start3A_3 = tpu.memref_slice %arg10[%dma_start3A] : memref<41943040xf32, #tpu.memory_space<hbm>> -> memref<41943040xf32, #tpu.memory_space<hbm>>
    tpu.enqueue_indirect_dma source(%arg14 : memref<256xf32, #tpu.memory_space<vmem>>) target(%dma_start3A_3 : memref<41943040xf32, #tpu.memory_space<hbm>>) offsets(%arg12 : memref<256xi32, #tpu.memory_space<vmem>>) semaphore(%arg18 : memref<!tpu.dma_semaphore, #tpu.memory_space<semaphore_mem>>)
    %dma_wait3A = arith.constant 0 : i32
    %dma_wait3A_4 = tpu.memref_slice %arg10[%dma_wait3A] : memref<41943040xf32, #tpu.memory_space<hbm>> -> memref<41943040xf32, #tpu.memory_space<hbm>>
    tpu.wait_indirect_dma semaphore(%arg18 : memref<!tpu.dma_semaphore, #tpu.memory_space<semaphore_mem>>) src(%arg14 : memref<256xf32, #tpu.memory_space<vmem>>) dst(%dma_wait3A_4 : memref<41943040xf32, #tpu.memory_space<hbm>>)
    %dma_start3A_5 = arith.constant 0 : i32
    %dma_start3A_6 = tpu.memref_slice %arg10[%dma_start3A_5] : memref<41943040xf32, #tpu.memory_space<hbm>> -> memref<41943040xf32, #tpu.memory_space<hbm>>
    tpu.enqueue_indirect_dma source(%arg16 : memref<256xf32, #tpu.memory_space<vmem>>) target(%dma_start3A_6 : memref<41943040xf32, #tpu.memory_space<hbm>>) offsets(%arg13 : memref<256xi32, #tpu.memory_space<vmem>>) semaphore(%arg18 : memref<!tpu.dma_semaphore, #tpu.memory_space<semaphore_mem>>)
    %dma_wait3A_7 = arith.constant 0 : i32
    %dma_wait3A_8 = tpu.memref_slice %arg10[%dma_wait3A_7] : memref<41943040xf32, #tpu.memory_space<hbm>> -> memref<41943040xf32, #tpu.memory_space<hbm>>
    tpu.wait_indirect_dma semaphore(%arg18 : memref<!tpu.dma_semaphore, #tpu.memory_space<semaphore_mem>>) src(%arg16 : memref<256xf32, #tpu.memory_space<vmem>>) dst(%dma_wait3A_8 : memref<41943040xf32, #tpu.memory_space<hbm>>)
    %dma_start3A_9 = arith.constant 0 : i32
    %dma_start3A_10 = tpu.memref_slice %arg11[%dma_start3A_9] : memref<41943040xf32, #tpu.memory_space<hbm>> -> memref<41943040xf32, #tpu.memory_space<hbm>>
    tpu.enqueue_indirect_dma source(%arg15 : memref<256xf32, #tpu.memory_space<vmem>>) target(%dma_start3A_10 : memref<41943040xf32, #tpu.memory_space<hbm>>) offsets(%arg12 : memref<256xi32, #tpu.memory_space<vmem>>) semaphore(%arg18 : memref<!tpu.dma_semaphore, #tpu.memory_space<semaphore_mem>>)
    %dma_wait3A_11 = arith.constant 0 : i32
    %dma_wait3A_12 = tpu.memref_slice %arg11[%dma_wait3A_11] : memref<41943040xf32, #tpu.memory_space<hbm>> -> memref<41943040xf32, #tpu.memory_space<hbm>>
    tpu.wait_indirect_dma semaphore(%arg18 : memref<!tpu.dma_semaphore, #tpu.memory_space<semaphore_mem>>) src(%arg15 : memref<256xf32, #tpu.memory_space<vmem>>) dst(%dma_wait3A_12 : memref<41943040xf32, #tpu.memory_space<hbm>>)
    %dma_start3A_13 = arith.constant 0 : i32
    %dma_start3A_14 = tpu.memref_slice %arg11[%dma_start3A_13] : memref<41943040xf32, #tpu.memory_space<hbm>> -> memref<41943040xf32, #tpu.memory_space<hbm>>
    tpu.enqueue_indirect_dma source(%arg17 : memref<256xf32, #tpu.memory_space<vmem>>) target(%dma_start3A_14 : memref<41943040xf32, #tpu.memory_space<hbm>>) offsets(%arg13 : memref<256xi32, #tpu.memory_space<vmem>>) semaphore(%arg18 : memref<!tpu.dma_semaphore, #tpu.memory_space<semaphore_mem>>)
    %dma_wait3A_15 = arith.constant 0 : i32
    %dma_wait3A_16 = tpu.memref_slice %arg11[%dma_wait3A_15] : memref<41943040xf32, #tpu.memory_space<hbm>> -> memref<41943040xf32, #tpu.memory_space<hbm>>
    tpu.wait_indirect_dma semaphore(%arg18 : memref<!tpu.dma_semaphore, #tpu.memory_space<semaphore_mem>>) src(%arg17 : memref<256xf32, #tpu.memory_space<vmem>>) dst(%dma_wait3A_16 : memref<41943040xf32, #tpu.memory_space<hbm>>)
    return
  }
}

module attributes {stable_mosaic.version = 14 : i64} {
  func.func @_lambda_(%arg0: i32, %arg1: i32, %arg2: memref<1x512x1024xf32, #tpu.memory_space<vmem>>, %arg3: memref<1024x64xf32, #tpu.memory_space<vmem>>, %arg4: memref<1x512x1xf32, #tpu.memory_space<vmem>>, %arg5: memref<1x512x1xi32, #tpu.memory_space<vmem>>, %arg6: memref<1x512x1xi32, #tpu.memory_space<vmem>>, %arg7: memref<1x512x1xf32, #tpu.memory_space<vmem>>, %arg8: memref<1x512x1xi32, #tpu.memory_space<vmem>>, %arg9: memref<1x512x1xf32, #tpu.memory_space<vmem>>, %arg10: memref<1x512x1xf32, #tpu.memory_space<vmem>>, %arg11: memref<1x8x64xf32, #tpu.memory_space<vmem>>) attributes {dimension_semantics = [#tpu.dimension_semantics<arbitrary>, #tpu.dimension_semantics<arbitrary>], iteration_bounds = array<i64: 2, 8>, scalar_prefetch = 0 : i64, scratch_operands = 0 : i64, tpu.core_type = #tpu.core_type<tc>, window_params = [{transform_indices = @transform_0, window_bounds = array<i64: 1, 512, 1024>}, {pipeline_mode = #tpu.pipeline_mode<synchronous>, transform_indices = @transform_1, window_bounds = array<i64: 1024, 64>}, {transform_indices = @transform_2, window_bounds = array<i64: 1, 512, 1>}, {transform_indices = @transform_3, window_bounds = array<i64: 1, 512, 1>}, {transform_indices = @transform_4, window_bounds = array<i64: 1, 512, 1>}, {transform_indices = @transform_5, window_bounds = array<i64: 1, 512, 1>}, {transform_indices = @transform_6, window_bounds = array<i64: 1, 512, 1>}, {transform_indices = @transform_7, window_bounds = array<i64: 1, 512, 1>}, {transform_indices = @transform_8, window_bounds = array<i64: 1, 512, 1>}, {transform_indices = @transform_9, window_bounds = array<i64: 1, 8, 64>}]} {
    %eq3A = arith.constant 0 : i32
    %eq3A_0 = arith.cmpi eq, %arg1, %eq3A : i32
    %convert_element_type3A = arith.extui %eq3A_0 : i1 to i32
    %cond3A = arith.constant 0 : i32
    %cond3A_1 = arith.cmpi ne, %convert_element_type3A, %cond3A : i32
    scf.if %cond3A_1 {
      %broadcast_in_dim3A_191 = arith.constant 0.000000e+00 : f32
      %broadcast_in_dim3A_192 = vector.broadcast %broadcast_in_dim3A_191 : f32 to vector<1x8x64xf32>
      %swap3A_193 = arith.constant 0 : index
      %swap3A_194 = arith.constant 0 : index
      %swap3A_195 = arith.constant 0 : index
      %swap3A_196 = vector.load %arg11[%swap3A_193, %swap3A_194, %swap3A_195] : memref<1x8x64xf32, #tpu.memory_space<vmem>>, vector<1x8x64xf32>
      tpu.vector_store %arg11[%swap3A_193, %swap3A_194, %swap3A_195], %broadcast_in_dim3A_192 {strides = array<i32>} : memref<1x8x64xf32, #tpu.memory_space<vmem>>, vector<1x8x64xf32>,
    } else {
    }
    %get3A = arith.constant 0 : index
    %get3A_2 = arith.constant 0 : index
    %get3A_3 = arith.constant 0 : index
    %get3A_4 = vector.load %arg2[%get3A, %get3A_2, %get3A_3] : memref<1x512x1024xf32, #tpu.memory_space<vmem>>, vector<1x512x1024xf32>
    %get3A_5 = vector.shape_cast %get3A_4 : vector<1x512x1024xf32> to vector<512x1024xf32>
    %get3A_6 = arith.constant 0 : index
    %get3A_7 = arith.constant 0 : index
    %get3A_8 = vector.load %arg3[%get3A_6, %get3A_7] : memref<1024x64xf32, #tpu.memory_space<vmem>>, vector<1024x64xf32>
    %dot_general3A = arith.constant dense<0.000000e+00> : vector<512x64xf32>
    %dot_general3A_9 = tpu.matmul %get3A_5, %get3A_8, %dot_general3A {dimension_numbers = #tpu.dot_dimension_numbers<[1], [0], [0], [1], [0, 0, 1, 1], [], []>, transpose_lhs_hint = false} : vector<512x1024xf32>, vector<1024x64xf32>, vector<512x64xf32> -> vector<512x64xf32>
    %reduce_max3A = arith.constant dense<0xFF800000> : vector<512xf32>
    %reduce_max3A_10 = vector.multi_reduction <maximumf>, %dot_general3A_9, %reduce_max3A [1] : vector<512x64xf32> to vector<512xf32>
    %broadcast_in_dim3A = vector.shape_cast %reduce_max3A_10 : vector<512xf32> to vector<512x1xf32>
    %sub3A = vector.broadcast %broadcast_in_dim3A : vector<512x1xf32> to vector<512x64xf32>
    %sub3A_11 = arith.subf %dot_general3A_9, %sub3A : vector<512x64xf32>
    %exp3A = math.exp %sub3A_11 : vector<512x64xf32>
    %reduce_sum3A = arith.constant dense<0.000000e+00> : vector<512xf32>
    %reduce_sum3A_12 = vector.multi_reduction <add>, %exp3A, %reduce_sum3A [1] : vector<512x64xf32> to vector<512xf32>
    %broadcast_in_dim3A_13 = vector.shape_cast %reduce_sum3A_12 : vector<512xf32> to vector<512x1xf32>
    %div3A = vector.broadcast %broadcast_in_dim3A_13 : vector<512x1xf32> to vector<512x64xf32>
    %div3A_14 = arith.divf %exp3A, %div3A : vector<512x64xf32>
    %log3A = math.log %broadcast_in_dim3A_13 : vector<512x1xf32>
    %add3A = arith.addf %log3A, %broadcast_in_dim3A : vector<512x1xf32>
    %mul3A = arith.mulf %add3A, %add3A : vector<512x1xf32>
    %reduce_sum3A_15 = vector.shape_cast %mul3A : vector<512x1xf32> to vector<1x512x1xf32>
    %reduce_sum3A_16 = arith.constant dense<0.000000e+00> : vector<1xf32>
    %reduce_sum3A_17 = vector.multi_reduction <add>, %reduce_sum3A_15, %reduce_sum3A_16 [1, 2] : vector<1x512x1xf32> to vector<1xf32>
    %reduce_sum3A_18 = vector.shape_cast %reduce_sum3A_17 : vector<1xf32> to vector<1x1x1xf32>
    %reduce_sum3A_19 = vector.extract %reduce_sum3A_18[0, 0, 0] : f32 from vector<1x1x1xf32>
    %iota3A = tpu.iota {dimensions = array<i32: 1>} : vector<512x64xi32>
    %reduce_max3A_20 = arith.constant dense<0xFF800000> : vector<512xf32>
    %reduce_max3A_21 = vector.multi_reduction <maximumf>, %div3A_14, %reduce_max3A_20 [1] : vector<512x64xf32> to vector<512xf32>
    %broadcast_in_dim3A_22 = vector.shape_cast %reduce_max3A_21 : vector<512xf32> to vector<512x1xf32>
    %eq3A_23 = vector.broadcast %broadcast_in_dim3A_22 : vector<512x1xf32> to vector<512x64xf32>
    %eq3A_24 = arith.cmpf oeq, %div3A_14, %eq3A_23 : vector<512x64xf32>
    %jit3A = arith.constant 64 : i32
    %broadcast_in_dim3A_25 = vector.broadcast %jit3A : i32 to vector<512x64xi32>
    %select_n3A = arith.select %eq3A_24, %iota3A, %broadcast_in_dim3A_25 : vector<512x64xi1>, vector<512x64xi32>
    %reduce_min3A = arith.constant dense<2147483647> : vector<512xi32>
    %reduce_min3A_26 = vector.multi_reduction <minsi>, %select_n3A, %reduce_min3A [1] : vector<512x64xi32> to vector<512xi32>
    %broadcast_in_dim3A_27 = vector.shape_cast %reduce_min3A_26 : vector<512xi32> to vector<512x1xi32>
    %eq3A_28 = vector.broadcast %broadcast_in_dim3A_27 : vector<512x1xi32> to vector<512x64xi32>
    %eq3A_29 = arith.cmpi eq, %iota3A, %eq3A_28 : vector<512x64xi32>
    %jit3A_30 = arith.constant -1.000000e+00 : f32
    %broadcast_in_dim3A_31 = vector.broadcast %jit3A_30 : f32 to vector<512x64xf32>
    %select_n3A_32 = arith.select %eq3A_29, %broadcast_in_dim3A_31, %div3A_14 : vector<512x64xi1>, vector<512x64xf32>
    %reduce_max3A_33 = arith.constant dense<0xFF800000> : vector<512xf32>
    %reduce_max3A_34 = vector.multi_reduction <maximumf>, %select_n3A_32, %reduce_max3A_33 [1] : vector<512x64xf32> to vector<512xf32>
    %broadcast_in_dim3A_35 = vector.shape_cast %reduce_max3A_34 : vector<512xf32> to vector<512x1xf32>
    %eq3A_36 = vector.broadcast %broadcast_in_dim3A_35 : vector<512x1xf32> to vector<512x64xf32>
    %eq3A_37 = arith.cmpf oeq, %select_n3A_32, %eq3A_36 : vector<512x64xf32>
    %jit3A_38 = arith.constant 64 : i32
    %broadcast_in_dim3A_39 = vector.broadcast %jit3A_38 : i32 to vector<512x64xi32>
    %select_n3A_40 = arith.select %eq3A_37, %iota3A, %broadcast_in_dim3A_39 : vector<512x64xi1>, vector<512x64xi32>
    %reduce_min3A_41 = arith.constant dense<2147483647> : vector<512xi32>
    %reduce_min3A_42 = vector.multi_reduction <minsi>, %select_n3A_40, %reduce_min3A_41 [1] : vector<512x64xi32> to vector<512xi32>
    %broadcast_in_dim3A_43 = vector.shape_cast %reduce_min3A_42 : vector<512xi32> to vector<512x1xi32>
    %add3A_44 = arith.addf %broadcast_in_dim3A_22, %broadcast_in_dim3A_35 : vector<512x1xf32>
    %max3A = arith.constant 9.99999971E-10 : f32
    %max3A_45 = vector.broadcast %max3A : f32 to vector<512x1xf32>
    %max3A_46 = arith.maximumf %add3A_44, %max3A_45 : vector<512x1xf32>
    %div3A_47 = arith.divf %broadcast_in_dim3A_22, %max3A_46 : vector<512x1xf32>
    %div3A_48 = arith.divf %broadcast_in_dim3A_35, %max3A_46 : vector<512x1xf32>
    %get3A_49 = arith.constant 0 : index
    %get3A_50 = arith.constant 0 : index
    %get3A_51 = arith.constant 0 : index
    %get3A_52 = vector.load %arg4[%get3A_49, %get3A_50, %get3A_51] : memref<1x512x1xf32, #tpu.memory_space<vmem>>, vector<1x512x1xf32>
    %get3A_53 = vector.shape_cast %get3A_52 : vector<1x512x1xf32> to vector<512x1xf32>
    %div3A_54 = arith.constant 2.000000e-01 : f32
    %div3A_55 = vector.broadcast %div3A_54 : f32 to vector<512x1xf32>
    %div3A_56 = arith.divf %div3A_48, %div3A_55 : vector<512x1xf32>
    %lt3A = arith.cmpf olt, %get3A_53, %div3A_56 : vector<512x1xf32>
    %eq3A_57 = vector.broadcast %broadcast_in_dim3A_27 : vector<512x1xi32> to vector<512x64xi32>
    %eq3A_58 = arith.cmpi eq, %iota3A, %eq3A_57 : vector<512x64xi32>
    %convert_element_type3A_59 = arith.extui %eq3A_58 : vector<512x64xi1> to vector<512x64xi32>
    %convert_element_type3A_60 = arith.sitofp %convert_element_type3A_59 : vector<512x64xi32> to vector<512x64xf32>
    %eq3A_61 = vector.broadcast %broadcast_in_dim3A_43 : vector<512x1xi32> to vector<512x64xi32>
    %eq3A_62 = arith.cmpi eq, %iota3A, %eq3A_61 : vector<512x64xi32>
    %convert_element_type3A_63 = arith.extui %eq3A_62 : vector<512x64xi1> to vector<512x64xi32>
    %convert_element_type3A_64 = arith.sitofp %convert_element_type3A_63 : vector<512x64xi32> to vector<512x64xf32>
    %convert_element_type3A_65 = arith.extui %lt3A : vector<512x1xi1> to vector<512x1xi32>
    %convert_element_type3A_66 = arith.sitofp %convert_element_type3A_65 : vector<512x1xi32> to vector<512x1xf32>
    %mul3A_67 = vector.broadcast %convert_element_type3A_66 : vector<512x1xf32> to vector<512x64xf32>
    %mul3A_68 = arith.mulf %convert_element_type3A_64, %mul3A_67 : vector<512x64xf32>
    %iota3A_69 = tpu.iota {dimensions = array<i32: 0>} : vector<512x512xi32>
    %iota3A_70 = tpu.iota {dimensions = array<i32: 1>} : vector<512x512xi32>
    %lt3A_71 = arith.cmpi slt, %iota3A_70, %iota3A_69 : vector<512x512xi32>
    %convert_element_type3A_72 = arith.extui %lt3A_71 : vector<512x512xi1> to vector<512x512xi32>
    %convert_element_type3A_73 = arith.sitofp %convert_element_type3A_72 : vector<512x512xi32> to vector<512x512xf32>
    %dot_general3A_74 = arith.constant dense<0.000000e+00> : vector<512x64xf32>
    %dot_general3A_75 = tpu.matmul %convert_element_type3A_73, %convert_element_type3A_60, %dot_general3A_74 {dimension_numbers = #tpu.dot_dimension_numbers<[1], [0], [0], [1], [0, 0, 1, 1], [], []>, transpose_lhs_hint = false} : vector<512x512xf32>, vector<512x64xf32>, vector<512x64xf32> -> vector<512x64xf32>
    %dot_general3A_76 = arith.constant dense<0.000000e+00> : vector<512x64xf32>
    %dot_general3A_77 = tpu.matmul %convert_element_type3A_73, %mul3A_68, %dot_general3A_76 {dimension_numbers = #tpu.dot_dimension_numbers<[1], [0], [0], [1], [0, 0, 1, 1], [], []>, transpose_lhs_hint = false} : vector<512x512xf32>, vector<512x64xf32>, vector<512x64xf32> -> vector<512x64xf32>
    %get3A_78 = arith.constant 0 : index
    %get3A_79 = arith.constant 0 : index
    %get3A_80 = arith.constant 0 : index
    %get3A_81 = vector.load %arg11[%get3A_78, %get3A_79, %get3A_80] : memref<1x8x64xf32, #tpu.memory_space<vmem>>, vector<1x8x64xf32>
    %slice3A = vector.extract_strided_slice %get3A_81 {offsets = [0, 0, 0], sizes = [1, 1, 64], strides = [1, 1, 1]} : vector<1x8x64xf32> to vector<1x1x64xf32>
    %squeeze3A = vector.shape_cast %slice3A : vector<1x1x64xf32> to vector<1x64xf32>
    %slice3A_82 = vector.extract_strided_slice %get3A_81 {offsets = [0, 3, 0], sizes = [1, 1, 64], strides = [1, 1, 1]} : vector<1x8x64xf32> to vector<1x1x64xf32>
    %squeeze3A_83 = vector.shape_cast %slice3A_82 : vector<1x1x64xf32> to vector<1x64xf32>
    %add3A_84 = vector.broadcast %squeeze3A : vector<1x64xf32> to vector<512x64xf32>
    %add3A_85 = arith.addf %dot_general3A_75, %add3A_84 : vector<512x64xf32>
    %mul3A_86 = arith.mulf %add3A_85, %convert_element_type3A_60 : vector<512x64xf32>
    %reduce_sum3A_87 = arith.constant dense<0.000000e+00> : vector<512xf32>
    %reduce_sum3A_88 = vector.multi_reduction <add>, %mul3A_86, %reduce_sum3A_87 [1] : vector<512x64xf32> to vector<512xf32>
    %broadcast_in_dim3A_89 = vector.shape_cast %reduce_sum3A_88 : vector<512xf32> to vector<512x1xf32>
    %add3A_90 = vector.broadcast %squeeze3A_83 : vector<1x64xf32> to vector<512x64xf32>
    %add3A_91 = arith.addf %dot_general3A_77, %add3A_90 : vector<512x64xf32>
    %mul3A_92 = arith.mulf %add3A_91, %mul3A_68 : vector<512x64xf32>
    %reduce_sum3A_93 = arith.constant dense<0.000000e+00> : vector<512xf32>
    %reduce_sum3A_94 = vector.multi_reduction <add>, %mul3A_92, %reduce_sum3A_93 [1] : vector<512x64xf32> to vector<512xf32>
    %broadcast_in_dim3A_95 = vector.shape_cast %reduce_sum3A_94 : vector<512xf32> to vector<512x1xf32>
    %lt3A_96 = arith.constant 8.000000e+01 : f32
    %lt3A_97 = vector.broadcast %lt3A_96 : f32 to vector<512x1xf32>
    %lt3A_98 = arith.cmpf olt, %broadcast_in_dim3A_89, %lt3A_97 : vector<512x1xf32>
    %convert_element_type3A_99 = arith.fptosi %broadcast_in_dim3A_89 : vector<512x1xf32> to vector<512x1xi32>
    %jit3A_100 = arith.constant -1 : i32
    %broadcast_in_dim3A_101 = vector.broadcast %jit3A_100 : i32 to vector<512x1xi32>
    %select_n3A_102 = arith.select %lt3A_98, %convert_element_type3A_99, %broadcast_in_dim3A_101 : vector<512x1xi1>, vector<512x1xi32>
    %jit3A_103 = arith.constant 1.000000e+09 : f32
    %broadcast_in_dim3A_104 = vector.broadcast %jit3A_103 : f32 to vector<512x1xf32>
    %select_n3A_105 = arith.select %lt3A, %broadcast_in_dim3A_95, %broadcast_in_dim3A_104 : vector<512x1xi1>, vector<512x1xf32>
    %reduce_sum3A_106 = arith.constant dense<0.000000e+00> : vector<64xf32>
    %reduce_sum3A_107 = vector.multi_reduction <add>, %convert_element_type3A_60, %reduce_sum3A_106 [0] : vector<512x64xf32> to vector<64xf32>
    %broadcast_in_dim3A_108 = vector.shape_cast %reduce_sum3A_107 : vector<64xf32> to vector<1x64xf32>
    %reduce_sum3A_109 = arith.constant dense<0.000000e+00> : vector<64xf32>
    %reduce_sum3A_110 = vector.multi_reduction <add>, %mul3A_68, %reduce_sum3A_109 [0] : vector<512x64xf32> to vector<64xf32>
    %broadcast_in_dim3A_111 = vector.shape_cast %reduce_sum3A_110 : vector<64xf32> to vector<1x64xf32>
    %reduce_sum3A_112 = arith.constant dense<0.000000e+00> : vector<64xf32>
    %reduce_sum3A_113 = vector.multi_reduction <add>, %div3A_14, %reduce_sum3A_112 [0] : vector<512x64xf32> to vector<64xf32>
    %broadcast_in_dim3A_114 = vector.shape_cast %reduce_sum3A_113 : vector<64xf32> to vector<1x64xf32>
    %iota3A_115 = tpu.iota {dimensions = array<i32: 1>} : vector<1x8x64xi32>
    %iota3A_116 = tpu.iota {dimensions = array<i32: 2>} : vector<1x8x64xi32>
    %eq3A_117 = arith.constant 0 : i32
    %eq3A_118 = vector.broadcast %eq3A_117 : i32 to vector<1x8x64xi32>
    %eq3A_119 = arith.cmpi eq, %iota3A_115, %eq3A_118 : vector<1x8x64xi32>
    %broadcast_in_dim3A_120 = vector.shape_cast %broadcast_in_dim3A_108 : vector<1x64xf32> to vector<1x1x64xf32>
    %jit3A_121 = arith.constant 0.000000e+00 : f32
    %broadcast_in_dim3A_122 = vector.shape_cast %broadcast_in_dim3A_120 : vector<1x1x64xf32> to vector<1x1x64xf32>
    %broadcast_in_dim3A_123 = vector.broadcast %broadcast_in_dim3A_122 : vector<1x1x64xf32> to vector<1x8x64xf32>
    %broadcast_in_dim3A_124 = vector.broadcast %jit3A_121 : f32 to vector<1x8x64xf32>
    %select_n3A_125 = arith.select %eq3A_119, %broadcast_in_dim3A_123, %broadcast_in_dim3A_124 : vector<1x8x64xi1>, vector<1x8x64xf32>
    %eq3A_126 = arith.constant 1 : i32
    %eq3A_127 = vector.broadcast %eq3A_126 : i32 to vector<1x8x64xi32>
    %eq3A_128 = arith.cmpi eq, %iota3A_115, %eq3A_127 : vector<1x8x64xi32>
    %broadcast_in_dim3A_129 = vector.shape_cast %broadcast_in_dim3A_114 : vector<1x64xf32> to vector<1x1x64xf32>
    %jit3A_130 = arith.constant 0.000000e+00 : f32
    %broadcast_in_dim3A_131 = vector.shape_cast %broadcast_in_dim3A_129 : vector<1x1x64xf32> to vector<1x1x64xf32>
    %broadcast_in_dim3A_132 = vector.broadcast %broadcast_in_dim3A_131 : vector<1x1x64xf32> to vector<1x8x64xf32>
    %broadcast_in_dim3A_133 = vector.broadcast %jit3A_130 : f32 to vector<1x8x64xf32>
    %select_n3A_134 = arith.select %eq3A_128, %broadcast_in_dim3A_132, %broadcast_in_dim3A_133 : vector<1x8x64xi1>, vector<1x8x64xf32>
    %add3A_135 = arith.addf %select_n3A_125, %select_n3A_134 : vector<1x8x64xf32>
    %eq3A_136 = arith.constant 3 : i32
    %eq3A_137 = vector.broadcast %eq3A_136 : i32 to vector<1x8x64xi32>
    %eq3A_138 = arith.cmpi eq, %iota3A_115, %eq3A_137 : vector<1x8x64xi32>
    %broadcast_in_dim3A_139 = vector.shape_cast %broadcast_in_dim3A_111 : vector<1x64xf32> to vector<1x1x64xf32>
    %jit3A_140 = arith.constant 0.000000e+00 : f32
    %broadcast_in_dim3A_141 = vector.shape_cast %broadcast_in_dim3A_139 : vector<1x1x64xf32> to vector<1x1x64xf32>
    %broadcast_in_dim3A_142 = vector.broadcast %broadcast_in_dim3A_141 : vector<1x1x64xf32> to vector<1x8x64xf32>
    %broadcast_in_dim3A_143 = vector.broadcast %jit3A_140 : f32 to vector<1x8x64xf32>
    %select_n3A_144 = arith.select %eq3A_138, %broadcast_in_dim3A_142, %broadcast_in_dim3A_143 : vector<1x8x64xi1>, vector<1x8x64xf32>
    %add3A_145 = arith.addf %add3A_135, %select_n3A_144 : vector<1x8x64xf32>
    %eq3A_146 = arith.constant 2 : i32
    %eq3A_147 = vector.broadcast %eq3A_146 : i32 to vector<1x8x64xi32>
    %eq3A_148 = arith.cmpi eq, %iota3A_115, %eq3A_147 : vector<1x8x64xi32>
    %eq3A_149 = arith.constant 0 : i32
    %eq3A_150 = vector.broadcast %eq3A_149 : i32 to vector<1x8x64xi32>
    %eq3A_151 = arith.cmpi eq, %iota3A_116, %eq3A_150 : vector<1x8x64xi32>
    %and3A = arith.andi %eq3A_148, %eq3A_151 : vector<1x8x64xi1>
    %jit3A_152 = arith.constant 0.000000e+00 : f32
    %broadcast_in_dim3A_153 = vector.broadcast %reduce_sum3A_19 : f32 to vector<1x8x64xf32>
    %broadcast_in_dim3A_154 = vector.broadcast %jit3A_152 : f32 to vector<1x8x64xf32>
    %select_n3A_155 = arith.select %and3A, %broadcast_in_dim3A_153, %broadcast_in_dim3A_154 : vector<1x8x64xi1>, vector<1x8x64xf32>
    %add3A_156 = arith.addf %add3A_145, %select_n3A_155 : vector<1x8x64xf32>
    %add3A_157 = arith.addf %get3A_81, %add3A_156 : vector<1x8x64xf32>
    %swap3A = arith.constant 0 : index
    %swap3A_158 = arith.constant 0 : index
    %swap3A_159 = arith.constant 0 : index
    %swap3A_160 = vector.load %arg11[%swap3A, %swap3A_158, %swap3A_159] : memref<1x8x64xf32, #tpu.memory_space<vmem>>, vector<1x8x64xf32>
    tpu.vector_store %arg11[%swap3A, %swap3A_158, %swap3A_159], %add3A_157 {strides = array<i32>} : memref<1x8x64xf32, #tpu.memory_space<vmem>>, vector<1x8x64xf32>,
    %broadcast_in_dim3A_161 = vector.shape_cast %broadcast_in_dim3A_27 : vector<512x1xi32> to vector<1x512x1xi32>
    %swap3A_162 = arith.constant 0 : index
    %swap3A_163 = arith.constant 0 : index
    %swap3A_164 = arith.constant 0 : index
    %swap3A_165 = vector.load %arg5[%swap3A_162, %swap3A_163, %swap3A_164] : memref<1x512x1xi32, #tpu.memory_space<vmem>>, vector<1x512x1xi32>
    tpu.vector_store %arg5[%swap3A_162, %swap3A_163, %swap3A_164], %broadcast_in_dim3A_161 {strides = array<i32>} : memref<1x512x1xi32, #tpu.memory_space<vmem>>, vector<1x512x1xi32>,
    %broadcast_in_dim3A_166 = vector.shape_cast %select_n3A_102 : vector<512x1xi32> to vector<1x512x1xi32>
    %swap3A_167 = arith.constant 0 : index
    %swap3A_168 = arith.constant 0 : index
    %swap3A_169 = arith.constant 0 : index
    %swap3A_170 = vector.load %arg6[%swap3A_167, %swap3A_168, %swap3A_169] : memref<1x512x1xi32, #tpu.memory_space<vmem>>, vector<1x512x1xi32>
    tpu.vector_store %arg6[%swap3A_167, %swap3A_168, %swap3A_169], %broadcast_in_dim3A_166 {strides = array<i32>} : memref<1x512x1xi32, #tpu.memory_space<vmem>>, vector<1x512x1xi32>,
    %broadcast_in_dim3A_171 = vector.shape_cast %div3A_47 : vector<512x1xf32> to vector<1x512x1xf32>
    %swap3A_172 = arith.constant 0 : index
    %swap3A_173 = arith.constant 0 : index
    %swap3A_174 = arith.constant 0 : index
    %swap3A_175 = vector.load %arg7[%swap3A_172, %swap3A_173, %swap3A_174] : memref<1x512x1xf32, #tpu.memory_space<vmem>>, vector<1x512x1xf32>
    tpu.vector_store %arg7[%swap3A_172, %swap3A_173, %swap3A_174], %broadcast_in_dim3A_171 {strides = array<i32>} : memref<1x512x1xf32, #tpu.memory_space<vmem>>, vector<1x512x1xf32>,
    %broadcast_in_dim3A_176 = vector.shape_cast %broadcast_in_dim3A_43 : vector<512x1xi32> to vector<1x512x1xi32>
    %swap3A_177 = arith.constant 0 : index
    %swap3A_178 = arith.constant 0 : index
    %swap3A_179 = arith.constant 0 : index
    %swap3A_180 = vector.load %arg8[%swap3A_177, %swap3A_178, %swap3A_179] : memref<1x512x1xi32, #tpu.memory_space<vmem>>, vector<1x512x1xi32>
    tpu.vector_store %arg8[%swap3A_177, %swap3A_178, %swap3A_179], %broadcast_in_dim3A_176 {strides = array<i32>} : memref<1x512x1xi32, #tpu.memory_space<vmem>>, vector<1x512x1xi32>,
    %broadcast_in_dim3A_181 = vector.shape_cast %select_n3A_105 : vector<512x1xf32> to vector<1x512x1xf32>
    %swap3A_182 = arith.constant 0 : index
    %swap3A_183 = arith.constant 0 : index
    %swap3A_184 = arith.constant 0 : index
    %swap3A_185 = vector.load %arg9[%swap3A_182, %swap3A_183, %swap3A_184] : memref<1x512x1xf32, #tpu.memory_space<vmem>>, vector<1x512x1xf32>
    tpu.vector_store %arg9[%swap3A_182, %swap3A_183, %swap3A_184], %broadcast_in_dim3A_181 {strides = array<i32>} : memref<1x512x1xf32, #tpu.memory_space<vmem>>, vector<1x512x1xf32>,
    %broadcast_in_dim3A_186 = vector.shape_cast %div3A_48 : vector<512x1xf32> to vector<1x512x1xf32>
    %swap3A_187 = arith.constant 0 : index
    %swap3A_188 = arith.constant 0 : index
    %swap3A_189 = arith.constant 0 : index
    %swap3A_190 = vector.load %arg10[%swap3A_187, %swap3A_188, %swap3A_189] : memref<1x512x1xf32, #tpu.memory_space<vmem>>, vector<1x512x1xf32>
    tpu.vector_store %arg10[%swap3A_187, %swap3A_188, %swap3A_189], %broadcast_in_dim3A_186 {strides = array<i32>} : memref<1x512x1xf32, #tpu.memory_space<vmem>>, vector<1x512x1xf32>,
    return
  }
  func.func @transform_0(%arg0: i32, %arg1: i32) -> (i32, i32, i32) {
    %c0_i32 = arith.constant 0 : i32
    %c0_i32_0 = arith.constant 0 : i32
    return %arg0, %arg1, %c0_i32 : i32, i32, i32
  }
  func.func @transform_1(%arg0: i32, %arg1: i32) -> (i32, i32) {
    %c0_i32 = arith.constant 0 : i32
    %c0_i32_0 = arith.constant 0 : i32
    %c0_i32_1 = arith.constant 0 : i32
    return %c0_i32, %c0_i32_0 : i32, i32
  }
  func.func @transform_2(%arg0: i32, %arg1: i32) -> (i32, i32, i32) {
    %c0_i32 = arith.constant 0 : i32
    %c0_i32_0 = arith.constant 0 : i32
    return %arg0, %arg1, %c0_i32 : i32, i32, i32
  }
  func.func @transform_3(%arg0: i32, %arg1: i32) -> (i32, i32, i32) {
    %c0_i32 = arith.constant 0 : i32
    %c0_i32_0 = arith.constant 0 : i32
    return %arg0, %arg1, %c0_i32 : i32, i32, i32
  }
  func.func @transform_4(%arg0: i32, %arg1: i32) -> (i32, i32, i32) {
    %c0_i32 = arith.constant 0 : i32
    %c0_i32_0 = arith.constant 0 : i32
    return %arg0, %arg1, %c0_i32 : i32, i32, i32
  }
  func.func @transform_5(%arg0: i32, %arg1: i32) -> (i32, i32, i32) {
    %c0_i32 = arith.constant 0 : i32
    %c0_i32_0 = arith.constant 0 : i32
    return %arg0, %arg1, %c0_i32 : i32, i32, i32
  }
  func.func @transform_6(%arg0: i32, %arg1: i32) -> (i32, i32, i32) {
    %c0_i32 = arith.constant 0 : i32
    %c0_i32_0 = arith.constant 0 : i32
    return %arg0, %arg1, %c0_i32 : i32, i32, i32
  }
  func.func @transform_7(%arg0: i32, %arg1: i32) -> (i32, i32, i32) {
    %c0_i32 = arith.constant 0 : i32
    %c0_i32_0 = arith.constant 0 : i32
    return %arg0, %arg1, %c0_i32 : i32, i32, i32
  }
  func.func @transform_8(%arg0: i32, %arg1: i32) -> (i32, i32, i32) {
    %c0_i32 = arith.constant 0 : i32
    %c0_i32_0 = arith.constant 0 : i32
    return %arg0, %arg1, %c0_i32 : i32, i32, i32
  }
  func.func @transform_9(%arg0: i32, %arg1: i32) -> (i32, i32, i32) {
    %c0_i32 = arith.constant 0 : i32
    %c0_i32_0 = arith.constant 0 : i32
    %c0_i32_1 = arith.constant 0 : i32
    return %arg0, %c0_i32, %c0_i32_0 : i32, i32, i32
  }
}

module attributes {stable_mosaic.version = 14 : i64} {
  func.func @_lambda_(%arg0: i32, %arg1: i32, %arg2: memref<1x256x1xi32, #tpu.memory_space<vmem>>, %arg3: memref<1x256x1xi32, #tpu.memory_space<vmem>>, %arg4: memref<1x256x1xf32, #tpu.memory_space<vmem>>, %arg5: memref<1x256x1xi32, #tpu.memory_space<vmem>>, %arg6: memref<1x256x1xf32, #tpu.memory_space<vmem>>, %arg7: memref<1x256x1xf32, #tpu.memory_space<vmem>>, %arg8: memref<1x8x64xf32, #tpu.memory_space<vmem>>, %arg9: memref<1x256x1xi32, #tpu.memory_space<vmem>>, %arg10: memref<1x256x1xf32, #tpu.memory_space<vmem>>, %arg11: memref<1x256x1xf32, #tpu.memory_space<vmem>>, %arg12: memref<1x256x1xi32, #tpu.memory_space<vmem>>, %arg13: memref<1x256x1xf32, #tpu.memory_space<vmem>>, %arg14: memref<1x256x1xf32, #tpu.memory_space<vmem>>) attributes {dimension_semantics = [#tpu.dimension_semantics<arbitrary>, #tpu.dimension_semantics<arbitrary>], iteration_bounds = array<i64: 2, 16>, scalar_prefetch = 0 : i64, scratch_operands = 0 : i64, tpu.core_type = #tpu.core_type<tc>, window_params = [{transform_indices = @transform_0, window_bounds = array<i64: 1, 256, 1>}, {transform_indices = @transform_1, window_bounds = array<i64: 1, 256, 1>}, {transform_indices = @transform_2, window_bounds = array<i64: 1, 256, 1>}, {transform_indices = @transform_3, window_bounds = array<i64: 1, 256, 1>}, {transform_indices = @transform_4, window_bounds = array<i64: 1, 256, 1>}, {transform_indices = @transform_5, window_bounds = array<i64: 1, 256, 1>}, {transform_indices = @transform_6, window_bounds = array<i64: 1, 8, 64>}, {transform_indices = @transform_7, window_bounds = array<i64: 1, 256, 1>}, {transform_indices = @transform_8, window_bounds = array<i64: 1, 256, 1>}, {transform_indices = @transform_9, window_bounds = array<i64: 1, 256, 1>}, {transform_indices = @transform_10, window_bounds = array<i64: 1, 256, 1>}, {transform_indices = @transform_11, window_bounds = array<i64: 1, 256, 1>}, {transform_indices = @transform_12, window_bounds = array<i64: 1, 256, 1>}]} {
    %mul3A = arith.constant 4096 : i32
    %mul3A_0 = arith.muli %arg0, %mul3A : i32
    %mul3A_1 = arith.constant 256 : i32
    %mul3A_2 = arith.muli %arg1, %mul3A_1 : i32
    %add3A = arith.addi %mul3A_0, %mul3A_2 : i32
    %iota3A = tpu.iota {dimensions = array<i32: 0>} : vector<256x1xi32>
    %add3A_3 = vector.broadcast %add3A : i32 to vector<256x1xi32>
    %add3A_4 = arith.addi %add3A_3, %iota3A : vector<256x1xi32>
    %get3A = arith.constant 0 : index
    %get3A_5 = arith.constant 0 : index
    %get3A_6 = arith.constant 0 : index
    %get3A_7 = vector.load %arg8[%get3A, %get3A_5, %get3A_6] : memref<1x8x64xf32, #tpu.memory_space<vmem>>, vector<1x1x64xf32>
    %get3A_8 = vector.shape_cast %get3A_7 : vector<1x1x64xf32> to vector<1x64xf32>
    %min3A = arith.constant 8.000000e+01 : f32
    %min3A_9 = vector.broadcast %min3A : f32 to vector<1x64xf32>
    %min3A_10 = arith.minimumf %get3A_8, %min3A_9 : vector<1x64xf32>
    %get3A_11 = arith.constant 0 : index
    %get3A_12 = arith.constant 0 : index
    %get3A_13 = arith.constant 0 : index
    %get3A_14 = vector.load %arg5[%get3A_11, %get3A_12, %get3A_13] : memref<1x256x1xi32, #tpu.memory_space<vmem>>, vector<1x256x1xi32>
    %get3A_15 = vector.shape_cast %get3A_14 : vector<1x256x1xi32> to vector<256x1xi32>
    %iota3A_16 = tpu.iota {dimensions = array<i32: 1>} : vector<256x64xi32>
    %eq3A = vector.broadcast %get3A_15 : vector<256x1xi32> to vector<256x64xi32>
    %eq3A_17 = arith.cmpi eq, %iota3A_16, %eq3A : vector<256x64xi32>
    %convert_element_type3A = arith.extui %eq3A_17 : vector<256x64xi1> to vector<256x64xi32>
    %convert_element_type3A_18 = arith.sitofp %convert_element_type3A : vector<256x64xi32> to vector<256x64xf32>
    %mul3A_19 = vector.broadcast %min3A_10 : vector<1x64xf32> to vector<256x64xf32>
    %mul3A_20 = arith.mulf %convert_element_type3A_18, %mul3A_19 : vector<256x64xf32>
    %reduce_sum3A = arith.constant dense<0.000000e+00> : vector<256xf32>
    %reduce_sum3A_21 = vector.multi_reduction <add>, %mul3A_20, %reduce_sum3A [1] : vector<256x64xf32> to vector<256xf32>
    %broadcast_in_dim3A = vector.shape_cast %reduce_sum3A_21 : vector<256xf32> to vector<256x1xf32>
    %get3A_22 = arith.constant 0 : index
    %get3A_23 = arith.constant 0 : index
    %get3A_24 = arith.constant 0 : index
    %get3A_25 = vector.load %arg6[%get3A_22, %get3A_23, %get3A_24] : memref<1x256x1xf32, #tpu.memory_space<vmem>>, vector<1x256x1xf32>
    %get3A_26 = vector.shape_cast %get3A_25 : vector<1x256x1xf32> to vector<256x1xf32>
    %add3A_27 = arith.addf %get3A_26, %broadcast_in_dim3A : vector<256x1xf32>
    %lt3A = arith.constant 8.000000e+01 : f32
    %lt3A_28 = vector.broadcast %lt3A : f32 to vector<256x1xf32>
    %lt3A_29 = arith.cmpf olt, %add3A_27, %lt3A_28 : vector<256x1xf32>
    %jit3A = arith.constant 0.000000e+00 : f32
    %broadcast_in_dim3A_30 = vector.broadcast %jit3A : f32 to vector<256x1xf32>
    %select_n3A = arith.select %lt3A_29, %add3A_27, %broadcast_in_dim3A_30 : vector<256x1xi1>, vector<256x1xf32>
    %convert_element_type3A_31 = arith.fptosi %select_n3A : vector<256x1xf32> to vector<256x1xi32>
    %get3A_32 = arith.constant 0 : index
    %get3A_33 = arith.constant 0 : index
    %get3A_34 = arith.constant 0 : index
    %get3A_35 = vector.load %arg2[%get3A_32, %get3A_33, %get3A_34] : memref<1x256x1xi32, #tpu.memory_space<vmem>>, vector<1x256x1xi32>
    %get3A_36 = vector.shape_cast %get3A_35 : vector<1x256x1xi32> to vector<256x1xi32>
    %get3A_37 = arith.constant 0 : index
    %get3A_38 = arith.constant 0 : index
    %get3A_39 = arith.constant 0 : index
    %get3A_40 = vector.load %arg3[%get3A_37, %get3A_38, %get3A_39] : memref<1x256x1xi32, #tpu.memory_space<vmem>>, vector<1x256x1xi32>
    %get3A_41 = vector.shape_cast %get3A_40 : vector<1x256x1xi32> to vector<256x1xi32>
    %ge3A = arith.constant 0 : i32
    %ge3A_42 = vector.broadcast %ge3A : i32 to vector<256x1xi32>
    %ge3A_43 = arith.cmpi sge, %get3A_41, %ge3A_42 : vector<256x1xi32>
    %get3A_44 = arith.constant 0 : index
    %get3A_45 = arith.constant 0 : index
    %get3A_46 = arith.constant 0 : index
    %get3A_47 = vector.load %arg4[%get3A_44, %get3A_45, %get3A_46] : memref<1x256x1xf32, #tpu.memory_space<vmem>>, vector<1x256x1xf32>
    %get3A_48 = vector.shape_cast %get3A_47 : vector<1x256x1xf32> to vector<256x1xf32>
    %get3A_49 = arith.constant 0 : index
    %get3A_50 = arith.constant 0 : index
    %get3A_51 = arith.constant 0 : index
    %get3A_52 = vector.load %arg7[%get3A_49, %get3A_50, %get3A_51] : memref<1x256x1xf32, #tpu.memory_space<vmem>>, vector<1x256x1xf32>
    %get3A_53 = vector.shape_cast %get3A_52 : vector<1x256x1xf32> to vector<256x1xf32>
    %mul3A_54 = arith.constant 5120 : i32
    %mul3A_55 = vector.broadcast %mul3A_54 : i32 to vector<256x1xi32>
    %mul3A_56 = arith.muli %add3A_4, %mul3A_55 : vector<256x1xi32>
    %mul3A_57 = arith.constant 80 : i32
    %mul3A_58 = vector.broadcast %mul3A_57 : i32 to vector<256x1xi32>
    %mul3A_59 = arith.muli %get3A_36, %mul3A_58 : vector<256x1xi32>
    %add3A_60 = arith.addi %mul3A_56, %mul3A_59 : vector<256x1xi32>
    %jit3A_61 = arith.constant 0 : i32
    %broadcast_in_dim3A_62 = vector.broadcast %jit3A_61 : i32 to vector<256x1xi32>
    %select_n3A_63 = arith.select %ge3A_43, %get3A_41, %broadcast_in_dim3A_62 : vector<256x1xi1>, vector<256x1xi32>
    %add3A_64 = arith.addi %add3A_60, %select_n3A_63 : vector<256x1xi32>
    %mul3A_65 = arith.constant 5120 : i32
    %mul3A_66 = vector.broadcast %mul3A_65 : i32 to vector<256x1xi32>
    %mul3A_67 = arith.muli %add3A_4, %mul3A_66 : vector<256x1xi32>
    %mul3A_68 = arith.constant 80 : i32
    %mul3A_69 = vector.broadcast %mul3A_68 : i32 to vector<256x1xi32>
    %mul3A_70 = arith.muli %get3A_15, %mul3A_69 : vector<256x1xi32>
    %add3A_71 = arith.addi %mul3A_67, %mul3A_70 : vector<256x1xi32>
    %add3A_72 = arith.addi %add3A_71, %convert_element_type3A_31 : vector<256x1xi32>
    %mul3A_73 = arith.constant 5120 : i32
    %mul3A_74 = arith.muli %add3A, %mul3A_73 : i32
    %slice3A = vector.extract_strided_slice %add3A_64 {offsets = [0, 0], sizes = [1, 1], strides = [1, 1]} : vector<256x1xi32> to vector<1x1xi32>
    %eq3A_75 = vector.broadcast %mul3A_74 : i32 to vector<1x1xi32>
    %eq3A_76 = arith.cmpi eq, %slice3A, %eq3A_75 : vector<1x1xi32>
    %slice3A_77 = vector.extract_strided_slice %ge3A_43 {offsets = [0, 0], sizes = [1, 1], strides = [1, 1]} : vector<256x1xi1> to vector<1x1xi1>
    %and3A = arith.andi %eq3A_76, %slice3A_77 : vector<1x1xi1>
    %slice3A_78 = vector.extract_strided_slice %add3A_72 {offsets = [0, 0], sizes = [1, 1], strides = [1, 1]} : vector<256x1xi32> to vector<1x1xi32>
    %eq3A_79 = vector.broadcast %mul3A_74 : i32 to vector<1x1xi32>
    %eq3A_80 = arith.cmpi eq, %slice3A_78, %eq3A_79 : vector<1x1xi32>
    %slice3A_81 = vector.extract_strided_slice %lt3A_29 {offsets = [0, 0], sizes = [1, 1], strides = [1, 1]} : vector<256x1xi1> to vector<1x1xi1>
    %and3A_82 = arith.andi %eq3A_80, %slice3A_81 : vector<1x1xi1>
    %slice3A_83 = vector.extract_strided_slice %get3A_48 {offsets = [0, 0], sizes = [1, 1], strides = [1, 1]} : vector<256x1xf32> to vector<1x1xf32>
    %jit3A_84 = arith.constant 0.000000e+00 : f32
    %broadcast_in_dim3A_85 = vector.broadcast %jit3A_84 : f32 to vector<1x1xf32>
    %select_n3A_86 = arith.select %and3A, %slice3A_83, %broadcast_in_dim3A_85 : vector<1x1xi1>, vector<1x1xf32>
    %slice3A_87 = vector.extract_strided_slice %get3A_53 {offsets = [0, 0], sizes = [1, 1], strides = [1, 1]} : vector<256x1xf32> to vector<1x1xf32>
    %jit3A_88 = arith.constant 0.000000e+00 : f32
    %broadcast_in_dim3A_89 = vector.broadcast %jit3A_88 : f32 to vector<1x1xf32>
    %select_n3A_90 = arith.select %and3A_82, %slice3A_87, %broadcast_in_dim3A_89 : vector<1x1xi1>, vector<1x1xf32>
    %add3A_91 = arith.addf %select_n3A_86, %select_n3A_90 : vector<1x1xf32>
    %ne3A = arith.constant 0.000000e+00 : f32
    %ne3A_92 = vector.broadcast %ne3A : f32 to vector<1x1xf32>
    %ne3A_93 = arith.cmpf one, %add3A_91, %ne3A_92 : vector<1x1xf32>
    %convert_element_type3A_94 = arith.extui %ne3A_93 : vector<1x1xi1> to vector<1x1xi32>
    %convert_element_type3A_95 = arith.sitofp %convert_element_type3A_94 : vector<1x1xi32> to vector<1x1xf32>
    %broadcast_in_dim3A_96 = vector.broadcast %mul3A_74 : i32 to vector<256x1xi32>
    %select_n3A_97 = arith.select %ge3A_43, %add3A_64, %broadcast_in_dim3A_96 : vector<256x1xi1>, vector<256x1xi32>
    %broadcast_in_dim3A_98 = vector.shape_cast %select_n3A_97 : vector<256x1xi32> to vector<1x256x1xi32>
    %swap3A = arith.constant 0 : index
    %swap3A_99 = arith.constant 0 : index
    %swap3A_100 = arith.constant 0 : index
    %swap3A_101 = vector.load %arg9[%swap3A, %swap3A_99, %swap3A_100] : memref<1x256x1xi32, #tpu.memory_space<vmem>>, vector<1x256x1xi32>
    tpu.vector_store %arg9[%swap3A, %swap3A_99, %swap3A_100], %broadcast_in_dim3A_98 {strides = array<i32>} : memref<1x256x1xi32, #tpu.memory_space<vmem>>, vector<1x256x1xi32>,
    %broadcast_in_dim3A_102 = vector.shape_cast %add3A_91 : vector<1x1xf32> to vector<1x1xf32>
    %broadcast_in_dim3A_103 = vector.broadcast %broadcast_in_dim3A_102 : vector<1x1xf32> to vector<256x1xf32>
    %select_n3A_104 = arith.select %ge3A_43, %get3A_48, %broadcast_in_dim3A_103 : vector<256x1xi1>, vector<256x1xf32>
    %broadcast_in_dim3A_105 = vector.shape_cast %select_n3A_104 : vector<256x1xf32> to vector<1x256x1xf32>
    %swap3A_106 = arith.constant 0 : index
    %swap3A_107 = arith.constant 0 : index
    %swap3A_108 = arith.constant 0 : index
    %swap3A_109 = vector.load %arg10[%swap3A_106, %swap3A_107, %swap3A_108] : memref<1x256x1xf32, #tpu.memory_space<vmem>>, vector<1x256x1xf32>
    tpu.vector_store %arg10[%swap3A_106, %swap3A_107, %swap3A_108], %broadcast_in_dim3A_105 {strides = array<i32>} : memref<1x256x1xf32, #tpu.memory_space<vmem>>, vector<1x256x1xf32>,
    %jit3A_110 = arith.constant 1.000000e+00 : f32
    %broadcast_in_dim3A_111 = vector.broadcast %jit3A_110 : f32 to vector<256x1xf32>
    %broadcast_in_dim3A_112 = vector.shape_cast %convert_element_type3A_95 : vector<1x1xf32> to vector<1x1xf32>
    %broadcast_in_dim3A_113 = vector.broadcast %broadcast_in_dim3A_112 : vector<1x1xf32> to vector<256x1xf32>
    %select_n3A_114 = arith.select %ge3A_43, %broadcast_in_dim3A_111, %broadcast_in_dim3A_113 : vector<256x1xi1>, vector<256x1xf32>
    %broadcast_in_dim3A_115 = vector.shape_cast %select_n3A_114 : vector<256x1xf32> to vector<1x256x1xf32>
    %swap3A_116 = arith.constant 0 : index
    %swap3A_117 = arith.constant 0 : index
    %swap3A_118 = arith.constant 0 : index
    %swap3A_119 = vector.load %arg11[%swap3A_116, %swap3A_117, %swap3A_118] : memref<1x256x1xf32, #tpu.memory_space<vmem>>, vector<1x256x1xf32>
    tpu.vector_store %arg11[%swap3A_116, %swap3A_117, %swap3A_118], %broadcast_in_dim3A_115 {strides = array<i32>} : memref<1x256x1xf32, #tpu.memory_space<vmem>>, vector<1x256x1xf32>,
    %broadcast_in_dim3A_120 = vector.broadcast %mul3A_74 : i32 to vector<256x1xi32>
    %select_n3A_121 = arith.select %lt3A_29, %add3A_72, %broadcast_in_dim3A_120 : vector<256x1xi1>, vector<256x1xi32>
    %broadcast_in_dim3A_122 = vector.shape_cast %select_n3A_121 : vector<256x1xi32> to vector<1x256x1xi32>
    %swap3A_123 = arith.constant 0 : index
    %swap3A_124 = arith.constant 0 : index
    %swap3A_125 = arith.constant 0 : index
    %swap3A_126 = vector.load %arg12[%swap3A_123, %swap3A_124, %swap3A_125] : memref<1x256x1xi32, #tpu.memory_space<vmem>>, vector<1x256x1xi32>
    tpu.vector_store %arg12[%swap3A_123, %swap3A_124, %swap3A_125], %broadcast_in_dim3A_122 {strides = array<i32>} : memref<1x256x1xi32, #tpu.memory_space<vmem>>, vector<1x256x1xi32>,
    %broadcast_in_dim3A_127 = vector.shape_cast %add3A_91 : vector<1x1xf32> to vector<1x1xf32>
    %broadcast_in_dim3A_128 = vector.broadcast %broadcast_in_dim3A_127 : vector<1x1xf32> to vector<256x1xf32>
    %select_n3A_129 = arith.select %lt3A_29, %get3A_53, %broadcast_in_dim3A_128 : vector<256x1xi1>, vector<256x1xf32>
    %broadcast_in_dim3A_130 = vector.shape_cast %select_n3A_129 : vector<256x1xf32> to vector<1x256x1xf32>
    %swap3A_131 = arith.constant 0 : index
    %swap3A_132 = arith.constant 0 : index
    %swap3A_133 = arith.constant 0 : index
    %swap3A_134 = vector.load %arg13[%swap3A_131, %swap3A_132, %swap3A_133] : memref<1x256x1xf32, #tpu.memory_space<vmem>>, vector<1x256x1xf32>
    tpu.vector_store %arg13[%swap3A_131, %swap3A_132, %swap3A_133], %broadcast_in_dim3A_130 {strides = array<i32>} : memref<1x256x1xf32, #tpu.memory_space<vmem>>, vector<1x256x1xf32>,
    %jit3A_135 = arith.constant 1.000000e+00 : f32
    %broadcast_in_dim3A_136 = vector.broadcast %jit3A_135 : f32 to vector<256x1xf32>
    %broadcast_in_dim3A_137 = vector.shape_cast %convert_element_type3A_95 : vector<1x1xf32> to vector<1x1xf32>
    %broadcast_in_dim3A_138 = vector.broadcast %broadcast_in_dim3A_137 : vector<1x1xf32> to vector<256x1xf32>
    %select_n3A_139 = arith.select %lt3A_29, %broadcast_in_dim3A_136, %broadcast_in_dim3A_138 : vector<256x1xi1>, vector<256x1xf32>
    %broadcast_in_dim3A_140 = vector.shape_cast %select_n3A_139 : vector<256x1xf32> to vector<1x256x1xf32>
    %swap3A_141 = arith.constant 0 : index
    %swap3A_142 = arith.constant 0 : index
    %swap3A_143 = arith.constant 0 : index
    %swap3A_144 = vector.load %arg14[%swap3A_141, %swap3A_142, %swap3A_143] : memref<1x256x1xf32, #tpu.memory_space<vmem>>, vector<1x256x1xf32>
    tpu.vector_store %arg14[%swap3A_141, %swap3A_142, %swap3A_143], %broadcast_in_dim3A_140 {strides = array<i32>} : memref<1x256x1xf32, #tpu.memory_space<vmem>>, vector<1x256x1xf32>,
    return
  }
  func.func @transform_0(%arg0: i32, %arg1: i32) -> (i32, i32, i32) {
    %c0_i32 = arith.constant 0 : i32
    %c0_i32_0 = arith.constant 0 : i32
    return %arg0, %arg1, %c0_i32 : i32, i32, i32
  }
  func.func @transform_1(%arg0: i32, %arg1: i32) -> (i32, i32, i32) {
    %c0_i32 = arith.constant 0 : i32
    %c0_i32_0 = arith.constant 0 : i32
    return %arg0, %arg1, %c0_i32 : i32, i32, i32
  }
  func.func @transform_2(%arg0: i32, %arg1: i32) -> (i32, i32, i32) {
    %c0_i32 = arith.constant 0 : i32
    %c0_i32_0 = arith.constant 0 : i32
    return %arg0, %arg1, %c0_i32 : i32, i32, i32
  }
  func.func @transform_3(%arg0: i32, %arg1: i32) -> (i32, i32, i32) {
    %c0_i32 = arith.constant 0 : i32
    %c0_i32_0 = arith.constant 0 : i32
    return %arg0, %arg1, %c0_i32 : i32, i32, i32
  }
  func.func @transform_4(%arg0: i32, %arg1: i32) -> (i32, i32, i32) {
    %c0_i32 = arith.constant 0 : i32
    %c0_i32_0 = arith.constant 0 : i32
    return %arg0, %arg1, %c0_i32 : i32, i32, i32
  }
  func.func @transform_5(%arg0: i32, %arg1: i32) -> (i32, i32, i32) {
    %c0_i32 = arith.constant 0 : i32
    %c0_i32_0 = arith.constant 0 : i32
    return %arg0, %arg1, %c0_i32 : i32, i32, i32
  }
  func.func @transform_6(%arg0: i32, %arg1: i32) -> (i32, i32, i32) {
    %c0_i32 = arith.constant 0 : i32
    %c0_i32_0 = arith.constant 0 : i32
    %c0_i32_1 = arith.constant 0 : i32
    return %arg0, %c0_i32, %c0_i32_0 : i32, i32, i32
  }
  func.func @transform_7(%arg0: i32, %arg1: i32) -> (i32, i32, i32) {
    %c0_i32 = arith.constant 0 : i32
    %c0_i32_0 = arith.constant 0 : i32
    return %arg0, %arg1, %c0_i32 : i32, i32, i32
  }
  func.func @transform_8(%arg0: i32, %arg1: i32) -> (i32, i32, i32) {
    %c0_i32 = arith.constant 0 : i32
    %c0_i32_0 = arith.constant 0 : i32
    return %arg0, %arg1, %c0_i32 : i32, i32, i32
  }
  func.func @transform_9(%arg0: i32, %arg1: i32) -> (i32, i32, i32) {
    %c0_i32 = arith.constant 0 : i32
    %c0_i32_0 = arith.constant 0 : i32
    return %arg0, %arg1, %c0_i32 : i32, i32, i32
  }
  func.func @transform_10(%arg0: i32, %arg1: i32) -> (i32, i32, i32) {
    %c0_i32 = arith.constant 0 : i32
    %c0_i32_0 = arith.constant 0 : i32
    return %arg0, %arg1, %c0_i32 : i32, i32, i32
  }
  func.func @transform_11(%arg0: i32, %arg1: i32) -> (i32, i32, i32) {
    %c0_i32 = arith.constant 0 : i32
    %c0_i32_0 = arith.constant 0 : i32
    return %arg0, %arg1, %c0_i32 : i32, i32, i32
  }
  func.func @transform_12(%arg0: i32, %arg1: i32) -> (i32, i32, i32) {
    %c0_i32 = arith.constant 0 : i32
    %c0_i32_0 = arith.constant 0 : i32
    return %arg0, %arg1, %c0_i32 : i32, i32, i32
  }
}

</mosaic_0001>

<sc_bundles>
// kernel: kernel.5.cloned.1.call-start
scs
__scs_entry_jumppad:
0x0: {  	(pc) =	sbr.rel $0x88, $3  }
0x1: {  	(tag) =	ssettag $0x0;
	lr =	simm.s32 $0x1  }
0x2: {  	[smem:$0x3F9F] =	sst lr;
	_ =	strace $0xD0000000  }
0x3: {  	_ = 	snop  }
0x4: {  	_ = 	snop  }
0x5: {  	_ = 	snop  }
0x6: {  	_ = 	snop  }
0x7: {  	_ = 	snop  }
__scs_overlays_trampoline_lowered:
0x8: {  	[smem:$0x3FAE] =	sst s0  }
0x9: {  	[smem:$0x3FAF] =	sst s1  }
0xa: {  	[smem:$0x3FB0] =	sst s2  }
0xb: {  	[smem:$0x3FB1] =	sst s3  }
0xc: {  	[smem:$0x3FB2] =	sst s4  }
0xd: {  	[smem:$0x3FB3] =	sst s5  }
0xe: {  	[smem:$0x3FB4] =	sst s6  }
0xf: {  	[smem:$0x3FB5] =	sst s7  }
0x10: {  	[smem:$0x3FB6] =	sst s8  }
0x11: {  	[smem:$0x3FB7] =	sst s9;
	s0 =	simm.s32 @!p0 $0x0  }
0x12: {  	s1 =	sld [smem:$0x3F9D];
	s0 =	simm.s32 @p0 $0x1  }
0x13: {  	[smem:$0x3FB8] =	sst s0;
	s0 =	simm.s32 @!p1 $0x0  }
0x14: {  	s2 =	sld [smem:$0x3F9C];
	s0 =	simm.s32 @p1 $0x1  }
0x15: {  	[smem:$0x3FB9] =	sst s0;
	s0 =	simm.s32 @!p2 $0x0  }
0x16: {  	s3 =	sld [smem:$0x3FDB];
	s0 =	simm.s32 @p2 $0x1  }
0x17: {  	s4 =	simm.s32 $0x1BF5;
	[smem:$0x3FBB] =	sst s0  }
0x18: {  	s0 =	sld [smem:$0x3F9E];
	_ =	swait.ge [sflag:s4], $0x0  }
0x19: {  	s7 =	sld [smem:$0x3F9F]  }
0x1a: {  	s8 =	sadd.s32 $0xFFFFE003, lr  }
0x1b: {  	s9 =	sadd.s32 $0xFFFFFEF7, lr;
	s5 =	simm.s32 $0xFFFFFFFF;
	p2 =	slt.u32 s8, $0xFFFFF086  }
0x1c: {  	p1 =	slt.u32 s9, $0xF7A;
	s5 =	simm.s32 @!p2 $0x0  }
0x1d: {  	s5 =	simm.s32 @p1 $0x1;
	p0 =	seq.s32 s7, s2  }
0x1e: {  	s7 =	smul.u32 @!p0 $0xF7A, s2;
	p2 =	seq.s32 @!p0 s5, $0x0  }
0x1f: {  	s9 =	smul.u32 $0xF7A, s1;
	s8 =	simm.s32 @!p0 $0x1BF5;
	p2 =	por !p2, p0  }
0x20: {  	[sflag:s8] =	ssyncset.s32 @!p0 $0xFFFFF086;
	s6 =	sadd.s32 @!p0 s3, s7;
	s7 =	simm.s32 @!p0 $0x108  }
0x21: {  	s3 =	sadd.s32 s3, s9;
	s6 =	sadd.s32 @!p0 $0x88, s6;
	s7 =	simm.s32 @p2 $0x1082  }
0x22: {  	[simem:s7], [sflag:s8] =	dma.local @!p0 [hbm:s6], $0xF7A  }
0x23: {  	s9 =	sor.u32 $0xD0000000, s2;
	s6 =	simm.s32 $0x108;
	_ =	swait.ge @!p0 [sflag:s8], $0x0  }
0x24: {  	s3 =	sadd.s32 $0x88, s3;
	s6 =	simm.s32 @!p1 $0x1082;
	[sflag:s4] =	ssyncset.s32 $0xFFFFF086  }
0x25: {  	[simem:s6], [sflag:s4] =	dma.local [hbm:s3], $0xF7A  }
0x26: {  	[smem:$0x3F9F] =	sst s1;
	(tag) =	ssettag s2;
	_ =	strace s9  }
0x27: {  	s1 =	sld [smem:$0x3FAF]  }
0x28: {  	s2 =	sld [smem:$0x3FB0]  }
0x29: {  	s4 =	sld [smem:$0x3FB2]  }
0x2a: {  	p0 =	seq.s32 s5, $0x0;
	s5 =	sld [smem:$0x3FB3]  }
0x2b: {  	s6 =	sld [smem:$0x3FB4]  }
0x2c: {  	s7 =	sld [smem:$0x3FB5]  }
0x2d: {  	s3 =	simm.s32 $0x108;
	s8 =	sld [smem:$0x3FB6]  }
0x2e: {  	s3 =	simm.s32 @!p0 $0x1082;
	s9 =	sld [smem:$0x3FB7]  }
0x2f: {  	lr =	sadd.s32 s0, s3;
	s0 =	sld [smem:$0x3FAE]  }
0x30: {  	s3 =	sld [smem:$0x3FB1]  }
0x31: {  	[smem:$0x3FBA] =	sst s10  }
0x32: {  	s10 =	sld [smem:$0x3FB8];
	_ =	sdelay $0x3  }
0x33: {  	p0 =	seq.s32 s10, $0x1;
	s10 =	sld [smem:$0x3FBA];
	_ =	sdelay $0x3  }
0x34: {  	[smem:$0x3FBA] =	sst s10  }
0x35: {  	s10 =	sld [smem:$0x3FB9];
	_ =	sdelay $0x3  }
0x36: {  	p1 =	seq.s32 s10, $0x1;
	s10 =	sld [smem:$0x3FBA];
	_ =	sdelay $0x3  }
0x37: {  	[smem:$0x3FBA] =	sst s10  }
0x38: {  	s10 =	sld [smem:$0x3FBB]  }
0x39: {  	_ = 	snop;
	(pc) =	sbr.ind lr, $3  }
0x3a: {  	_ = 	snop  }
0x3b: {  	_ = 	snop  }
0x3c: {  	p2 =	seq.s32 s10, $0x1;
	s10 =	sld [smem:$0x3FBA]  }
0x3d: {  	_ =	shalt  }
0x3e: {  	_ =	shalt  }
0x3f: {  	_ =	shalt  }
0x40: {  	_ =	shalt  }
0x41: {  	_ =	shalt  }
0x42: {  	_ =	shalt  }
0x43: {  	_ =	shalt  }
0x44: {  	_ =	shalt  }
0x45: {  	_ =	shalt  }
0x46: {  	_ =	shalt  }
0x47: {  	_ =	shalt  }
0x48: {  	_ =	shalt  }
0x49: {  	_ =	shalt  }
0x4a: {  	_ =	shalt  }
0x4b: {  	_ =	shalt  }
0x4c: {  	_ =	shalt  }
0x4d: {  	_ =	shalt  }
0x4e: {  	_ =	shalt  }
0x4f: {  	_ =	shalt  }
0x50: {  	_ =	shalt  }
0x51: {  	_ =	shalt  }
0x52: {  	_ =	shalt  }
0x53: {  	_ =	shalt  }
0x54: {  	_ =	shalt  }
0x55: {  	_ =	shalt  }
0x56: {  	_ =	shalt  }
0x57: {  	_ =	shalt  }
0x58: {  	_ =	shalt  }
0x59: {  	_ =	shalt  }
0x5a: {  	_ =	shalt  }
0x5b: {  	_ =	shalt  }
0x5c: {  	_ =	shalt  }
0x5d: {  	_ =	shalt  }
0x5e: {  	_ =	shalt  }
0x5f: {  	_ =	shalt  }
0x60: {  	_ =	shalt  }
0x61: {  	_ =	shalt  }
0x62: {  	_ =	shalt  }
0x63: {  	_ =	shalt  }
0x64: {  	_ =	shalt  }
0x65: {  	_ =	shalt  }
0x66: {  	_ =	shalt  }
0x67: {  	_ =	shalt  }
0x68: {  	_ =	shalt  }
0x69: {  	_ =	shalt  }
0x6a: {  	_ =	shalt  }
0x6b: {  	_ =	shalt  }
0x6c: {  	_ =	shalt  }
0x6d: {  	_ =	shalt  }
0x6e: {  	_ =	shalt  }
0x6f: {  	_ =	shalt  }
0x70: {  	_ =	shalt  }
0x71: {  	_ =	shalt  }
0x72: {  	_ =	shalt  }
0x73: {  	_ =	shalt  }
0x74: {  	_ =	shalt  }
0x75: {  	_ =	shalt  }
0x76: {  	_ =	shalt  }
0x77: {  	_ =	shalt  }
0x78: {  	_ =	shalt  }
0x79: {  	_ =	shalt  }
0x7a: {  	_ =	shalt  }
0x7b: {  	_ =	shalt  }
0x7c: {  	_ =	shalt  }
0x7d: {  	_ =	shalt  }
0x7e: {  	_ =	shalt  }
0x7f: {  	_ =	shalt  }
0x80: {  	_ =	shalt  }
0x81: {  	_ =	shalt  }
0x82: {  	_ =	shalt  }
0x83: {  	_ =	shalt  }
0x84: {  	_ =	shalt  }
0x85: {  	_ =	shalt  }
0x86: {  	_ =	shalt  }
0x87: {  	_ =	shalt  }
.Lfunc_end0:
.L_simem_size_0:
called_computation_lowered:
.L_overlay_start_0:
0x88: {  	s2 =	sld [smem:$0x3FD9]  }
0x89: {  	s3 =	sld [smem:$0x3FFE];
	_ =	sdelay $0x1  }
0x8a: {  	s1 =	srdreg.scid  }
0x8b: {  	s0 =	sand.u32 $0x1, s1  }
0x8c: {  	s14 =	sshll.u32 s0, $0xA;
	s2 =	sadd.s32 s3, s2  }
0x8d: {  	s2 =	sadd.s32 s2, s14  }
0x8e: {  	[smem:$0x3FC6] =	sst s2  }
0x8f: {  	_ = 	snop  }
0x90: {  	s2 =	sld [smem:$0x3FD0];
	_ =	sdelay $0x2  }
0x91: {  	s15 =	simm.s32 $0xA;
	s4 =	simm.s32 $0x10  }
0x92: {  	[smem:s4], [sflag:s15] =	dma.local [hbm:s2], $0x1  }
0x93: {  	_ =	swait.eq [sflag:s15], $0x1  }
0x94: {  	[sflag:s15] =	ssyncset.done $0x0  }
0x95: {  	s16 =	sld [smem:$0x10];
	[sflag:s15] =	ssyncadd.s32 $0xFFFFFFFF  }
0x96: {  	s17 =	sld [smem:$0x11];
	(tm) =	ssettm $0x1  }
0x97: {  	s18 =	sld [smem:$0x3FFB];
	_ =	sdelay $0x3  }
0x98: {  	_ =	strace s18  }
0x99: {  	s4 =	sld [smem:$0x3FFC];
	_ =	sdelay $0x3  }
0x9a: {  	_ =	strace s4  }
0x9b: {  	s4 =	sld [smem:$0x3FFD];
	_ =	sdelay $0x3  }
0x9c: {  	_ =	strace s4  }
0x9d: {  	_ =	strace $0x8FFFFFFF  }
0x9e: {  	s19 =	sld [smem:$0x3FDB];
	_ =	sdelay $0x1  }
0x9f: {  	s5 =	simm.s32 $_scs_section_size  }
0xa0: {  	s6 =	simm.s32 $_size__tile_overlayer_lowered;
	s7 =	simm.s32 $_tile_overlayer_lowered  }
0xa1: {  	s22 =	simm.s32 $0x1BFF;
	s21 =	sshll.u32 s7, $0x1;
	s4 =	sadd.s32 s5, s19  }
0xa2: {  	s8 =	simm.s32 $0x0;
	s20 =	sshll.u32 s6, $0x1;
	s6 =	sadd.s32 s21, s4  }
0xa3: {  	[timem:s8], [sflag:s22] =	dma.local [hbm:s6], s20  }
0xa4: {  	_ =	swait.ge [sflag:s22], s20  }
0xa5: {  	s5 =	ssub.s32 $0x0, s20;
	[sflag:s22] =	ssyncset.done $0x0  }
0xa6: {  	[sflag:s22] =	ssyncadd.s32 s5;
	_ =	sdelay $0x1  }
0xa7: {  	s23 =	simm.s32 $0x1B8B  }
0xa8: {  	_ =	swait.ge [sflag:s23], $0x1  }
0xa9: {  	[sflag:s23] =	ssyncset.done $0x0  }
0xaa: {  	s25 =	simm.s32 $0x1B8E;
	s24 =	sld [smem:$0x3FFE];
	[sflag:s23] =	ssyncadd.s32 $0xFFFFFFFF  }
0xab: {  	s26 =	simm.s32 $execute0_lowered;
	[smem:$0x3FD2] =	sst s25  }
0xac: {  	s6 =	sshll.u32 s26, $0x1;
	_ =	strace $0x80000046;
	[dreg:$0x1] =	wrdreg $0xFFFFFFFF  }
0xad: {  	s28 =	simm.s32 $_size_execute0_lowered;
	s4 =	sadd.s32 s4, s6;
	[dreg:$0x0] =	wrdreg $0x0  }
0xae: {  	s6 =	sshll.u32 s28, $0x1;
	[dreg:$0x2] =	wrdreg s4  }
0xaf: {  	[dreg:$0x3] =	wrdreg s6  }
0xb0: {  	[dreg:$0x4] =	wrdreg $0xC0  }
0xb1: {  	_ =	task [dreg:s8], $0x5FFFF  }
0xb2: {  	[dreg:$0x1] =	wrdreg $0xFFFFFFFF  }
0xb3: {  	[dreg:$0x0] =	wrdreg $0x60  }
0xb4: {  	[dreg:$0x2] =	wrdreg s24  }
0xb5: {  	[dreg:$0x3] =	wrdreg s17  }
0xb6: {  	[dreg:$0x4] =	wrdreg s16  }
0xb7: {  	[dreg:$0x5] =	wrdreg $0x9  }
0xb8: {  	_ =	task.clear_ibuf [dreg:s8], $0x6FFFF;
	_ =	strace $0x90000046  }
0xb9: {  	s29 =	simm.s32 $0x9;
	_ =	strace $0x80000048  }
0xba: {  	_ =	swait.ge [sflag:s29], $0x1  }
0xbb: {  	[sflag:s29] =	ssyncadd.s32 $0xFFFFFFFF  }
0xbc: {  	_ =	strace $0x90000048  }
0xbd: {  	_ =	sfence  }
0xbe: {  	s30 =	sld [smem:$0x0];
	_ =	sdelay $0x2  }
0xbf: {  	s31 =	sshll.u32 s1, $0xD;
	s1 =	sshrl.u32 s1, $0x2  }
0xc0: {  	s3 =	sand.u32 $0x4000, s31;
	s1 =	sadd.s32 s1, s30  }
0xc1: {  	s0 =	sor.u32 s3, s0;
	s1 =	sshll.u32 s1, $0x11  }
0xc2: {  	s0 =	sor.u32 s1, s0  }
0xc3: {  	s0 =	sadd.s32 $0x8F2B, s0  }
0xc4: {  	[sflag:s0] =	ssyncadd.remote.s32 $0x1  }
0xc5: {  	_ =	sfence.sel $0xFFFF  }
0xc6: {  	[dreg:$0x0] =	wrdreg $0xFFFFFFFF;
	(pc) =	sbr.abs _section_cstart, $3  }
0xc7: {  	[dreg:$0x1] =	wrdreg $0xFFFFFFFF  }
0xc8: {  	_ =	task.clear_ibuf [dreg:s8], $0x2FFFF;
	_ =	strace $0x9FFFFFFF  }
0xc9: {  	(tm) =	ssettm $0x7FFFFFFF  }
tec
execute0_lowered:
.L_overlay_start_1:
0x0: {  	(tag) =	ssettag $0x1  }
0x1: {  	s5 =	rddreg [dreg:$0x0];
	s1 =	srdreg.scid  }
0x2: {  	s2 =	rddreg [dreg:$0x1];
	s0 =	stileid.u32;
	s18 =	sand.u32 $0x1, s1  }
0x3: {  	s3 =	rddreg [dreg:$0x2];
	s6 =	sshll.u32 s0, $0x6;
	s7 =	sshll.u32 s18, $0x5  }
0x4: {  	s4 =	simm.s32 $0x0;
	s1 =	rddreg [dreg:$0x3];
	s6 =	sor.u32 s7, s6  }
0x5: {  	[smem:$0x7FF] =	sst s4;
	s5 =	sadd.s32 s5, s6  }
0x6: {  	_ =	strace $0x80000047;
	s7 =	simm.s32 $0x2;
	s6 =	sadd.s32 $0x400, s5  }
0x7: {  	[tilespmem:s4], [sflag:$0x2] =	stream.linear.gather [hbm4b:s6+s4], $0x100, $0x38;
	[tilespmem:$0x600] =	vst v63  }
0x8: {  	_ =	swait.ge [sflag:s7], $0x100  }
0x9: {  	[sflag:s7] =	ssyncset.done $0x0  }
0xa: {  	s8 =	simm.s32 $0x100;
	[sflag:s7] =	ssyncadd.s32 $0xFFFFFF00  }
0xb: {  	[tilespmem:s8], [sflag:$0x2] =	stream.linear.gather [hbm4b:s5+s4], $0x100, $0x38;
	[tilespmem:$0x600] =	vst v63  }
0xc: {  	_ =	swait.ge [sflag:s7], $0x100  }
0xd: {  	[sflag:s7] =	ssyncset.done $0x0  }
0xe: {  	s10 =	simm.s32 $0x200;
	s9 =	sadd.s32 $0x800, s5;
	[sflag:s7] =	ssyncadd.s32 $0xFFFFFF00  }
0xf: {  	[tilespmem:s10], [sflag:$0x2] =	stream.linear.gather [hbm4b:s9+s4], $0x100, $0x38;
	[tilespmem:$0x600] =	vst v63  }
0x10: {  	_ =	swait.ge [sflag:s7], $0x100  }
0x11: {  	[sflag:s7] =	ssyncset.done $0x0  }
0x12: {  	s12 =	simm.s32 $0x300;
	s11 =	sadd.s32 $0xC00, s5;
	[sflag:s7] =	ssyncadd.s32 $0xFFFFFF00  }
0x13: {  	[tilespmem:s12], [sflag:$0x2] =	stream.linear.gather [hbm4b:s11+s4], $0x100, $0x38;
	[tilespmem:$0x600] =	vst v63  }
0x14: {  	_ =	swait.ge [sflag:s7], $0x100  }
0x15: {  	[sflag:s7] =	ssyncset.done $0x0  }
0x16: {  	s14 =	simm.s32 $0x400;
	s13 =	sadd.s32 $0x1000, s5;
	[sflag:s7] =	ssyncadd.s32 $0xFFFFFF00  }
0x17: {  	[tilespmem:s14], [sflag:$0x2] =	stream.linear.gather [hbm4b:s13+s4], $0x100, $0x38;
	[tilespmem:$0x600] =	vst v63  }
0x18: {  	_ =	swait.ge [sflag:s7], $0x100  }
0x19: {  	[sflag:s7] =	ssyncset.done $0x0  }
0x1a: {  	s16 =	simm.s32 $0x500;
	s15 =	sadd.s32 $0x1400, s5;
	[sflag:s7] =	ssyncadd.s32 $0xFFFFFF00  }
0x1b: {  	[tilespmem:s16], [sflag:$0x2] =	stream.linear.gather [hbm4b:s15+s4], $0x100, $0x38;
	[tilespmem:$0x600] =	vst v63  }
0x1c: {  	_ =	swait.ge [sflag:s7], $0x100  }
0x1d: {  	[sflag:s7] =	ssyncset.done $0x0  }
0x1e: {  	s17 =	simm.s32 $0x1;
	[sflag:s7] =	ssyncadd.s32 $0xFFFFFF00  }
0x1f: {  	[hbm4b:s2+s8] =	stream.indirect.scatter [tilespmem:s10], [sflag:$0x1], $0x1, s4, s8, $0xb8;
	[tilespmem:$0x600] =	vst v63  }
0x20: {  	_ =	swait.ge [sflag:s17], $0x100  }
0x21: {  	[sflag:s17] =	ssyncset.done $0x0  }
0x22: {  	s18 =	ssub.s32 $0x2, s18;
	[sflag:s17] =	ssyncadd.s32 $0xFFFFFF00  }
0x23: {  	[hbm4b:s2+s8] =	stream.indirect.scatter [tilespmem:s14], [sflag:$0x1], $0x1, s8, s8, $0xb8;
	[tilespmem:$0x600] =	vst v63  }
0x24: {  	s19 =	sshrl.u32 s18, $0x1;
	_ =	swait.ge [sflag:s17], $0x100  }
0x25: {  	s18 =	ssub.s32 s18, s19;
	[sflag:s17] =	ssyncset.done $0x0  }
0x26: {  	s18 =	smax.u32 s18, $0x1;
	[sflag:s17] =	ssyncadd.s32 $0xFFFFFF00  }
0x27: {  	[hbm4b:s3+s8] =	stream.indirect.scatter [tilespmem:s12], [sflag:$0x1], $0x1, s4, s8, $0xb8;
	[tilespmem:$0x600] =	vst v63  }
0x28: {  	p0 =	sne.s32 s18, $0x1;
	_ =	swait.ge [sflag:s17], $0x100  }
.Ltmp0:
0x29: {  	[sflag:s17] =	ssyncset.done $0x0;
	(pc) =	sbr.rel @!p0 .LBB2_2-.Ltmp0, $4  }
0x2a: {  	[sflag:s17] =	ssyncadd.s32 $0xFFFFFF00  }
0x2b: {  	[hbm4b:s3+s8] =	stream.indirect.scatter [tilespmem:s16], [sflag:$0x1], $0x1, s8, s8, $0xb8;
	[tilespmem:$0x600] =	vst v63  }
0x2c: {  	_ =	swait.ge [sflag:s17], $0x100  }
0x2d: {  	s18 =	sadd.s32 $0xFFFFFFFF, s18;
	[sflag:s17] =	ssyncset.done $0x0  }
.LBB2_1:
0x2e: {  	p0 =	sne.s32 s18, $0x1;
	s18 =	sadd.s32 $0xFFFFFFFF, s18;
	[sflag:s17] =	ssyncadd.s32 $0xFFFFFF00  }
0x2f: {  	[tilespmem:s4], [sflag:$0x2] =	stream.linear.gather [hbm4b:s6+s4], $0x100, $0x38;
	[tilespmem:$0x600] =	vst v63  }
0x30: {  	_ =	swait.ge [sflag:s7], $0x100  }
0x31: {  	[sflag:s7] =	ssyncset.done $0x0  }
0x32: {  	[sflag:s7] =	ssyncadd.s32 $0xFFFFFF00  }
0x33: {  	[tilespmem:s8], [sflag:$0x2] =	stream.linear.gather [hbm4b:s5+s4], $0x100, $0x38;
	[tilespmem:$0x600] =	vst v63  }
0x34: {  	_ =	swait.ge [sflag:s7], $0x100  }
0x35: {  	[sflag:s7] =	ssyncset.done $0x0  }
0x36: {  	[sflag:s7] =	ssyncadd.s32 $0xFFFFFF00  }
0x37: {  	[tilespmem:s10], [sflag:$0x2] =	stream.linear.gather [hbm4b:s9+s4], $0x100, $0x38;
	[tilespmem:$0x600] =	vst v63  }
0x38: {  	_ =	swait.ge [sflag:s7], $0x100  }
0x39: {  	[sflag:s7] =	ssyncset.done $0x0  }
0x3a: {  	[sflag:s7] =	ssyncadd.s32 $0xFFFFFF00  }
0x3b: {  	[tilespmem:s12], [sflag:$0x2] =	stream.linear.gather [hbm4b:s11+s4], $0x100, $0x38;
	[tilespmem:$0x600] =	vst v63  }
0x3c: {  	_ =	swait.ge [sflag:s7], $0x100  }
0x3d: {  	[sflag:s7] =	ssyncset.done $0x0  }
0x3e: {  	[sflag:s7] =	ssyncadd.s32 $0xFFFFFF00  }
0x3f: {  	[tilespmem:s14], [sflag:$0x2] =	stream.linear.gather [hbm4b:s13+s4], $0x100, $0x38;
	[tilespmem:$0x600] =	vst v63  }
0x40: {  	_ =	swait.ge [sflag:s7], $0x100  }
0x41: {  	[sflag:s7] =	ssyncset.done $0x0  }
0x42: {  	[sflag:s7] =	ssyncadd.s32 $0xFFFFFF00  }
0x43: {  	[tilespmem:s16], [sflag:$0x2] =	stream.linear.gather [hbm4b:s15+s4], $0x100, $0x38;
	[tilespmem:$0x600] =	vst v63  }
0x44: {  	_ =	swait.ge [sflag:s7], $0x100  }
0x45: {  	[sflag:s7] =	ssyncset.done $0x0  }
0x46: {  	[sflag:s7] =	ssyncadd.s32 $0xFFFFFF00  }
0x47: {  	[hbm4b:s2+s8] =	stream.indirect.scatter [tilespmem:s10], [sflag:$0x1], $0x1, s4, s8, $0xb8;
	[tilespmem:$0x600] =	vst v63  }
0x48: {  	_ =	swait.ge [sflag:s17], $0x100  }
0x49: {  	[sflag:s17] =	ssyncset.done $0x0  }
0x4a: {  	[sflag:s17] =	ssyncadd.s32 $0xFFFFFF00  }
0x4b: {  	[hbm4b:s2+s8] =	stream.indirect.scatter [tilespmem:s14], [sflag:$0x1], $0x1, s8, s8, $0xb8;
	[tilespmem:$0x600] =	vst v63  }
0x4c: {  	_ =	swait.ge [sflag:s17], $0x100  }
0x4d: {  	[sflag:s17] =	ssyncset.done $0x0  }
0x4e: {  	[sflag:s17] =	ssyncadd.s32 $0xFFFFFF00  }
0x4f: {  	[hbm4b:s3+s8] =	stream.indirect.scatter [tilespmem:s12], [sflag:$0x1], $0x1, s4, s8, $0xb8;
	[tilespmem:$0x600] =	vst v63  }
0x50: {  	_ =	swait.ge [sflag:s17], $0x100  }
.Ltmp1:
0x51: {  	[sflag:s17] =	ssyncset.done $0x0;
	(pc) =	sbr.rel @p0 .LBB2_1-.Ltmp1, $4  }
0x52: {  	[sflag:s17] =	ssyncadd.s32 $0xFFFFFF00  }
0x53: {  	[hbm4b:s3+s8] =	stream.indirect.scatter [tilespmem:s16], [sflag:$0x1], $0x1, s8, s8, $0xb8;
	[tilespmem:$0x600] =	vst v63  }
0x54: {  	_ =	swait.ge [sflag:s17], $0x100  }
0x55: {  	[sflag:s17] =	ssyncset.done $0x0  }
.LBB2_2:
0x56: {  	[sflag:s17] =	ssyncadd.s32 $0xFFFFFF00  }
0x57: {  	_ =	sfence.sel $0x180000  }
0x58: {  	[bflag:$0x0] =	sbarrier.arrive $0xFFFF  }
0x59: {  	p0 =	sne.s32 s0, $0x0;
	_ =	strace $0x90000047  }
0x5a: {  	s0 =	sadd.s32 @!p0 $0x100000, s1;
	[bflag:$0x2] =	sbarrier.arrive $0xFFFF  }
0x5b: {  	[sflag:s0] =	ssyncadd.tile.s32 @!p0 $0x1;
	_ =	shalt  }
.Lfunc_end2:
_tile_overlayer_lowered:
.L_overlay_start_2:
0x5c: {  	(tag) =	ssettag $0x2  }
0x5d: {  	s0 =	rddreg [dreg:$0x0];
	s2 =	stileid.u32  }
0x5e: {  	s1 =	rddreg [dreg:$0x1];
	p0 =	sne.s32 s2, $0x0  }
0x5f: {  	s3 =	rddreg [dreg:$0x2];
	[bflag:$0x3] =	sbarrier.arrive $0xFFFF;
	s2 =	simm.s32 @!p0 $0x1C02  }
0x60: {  	[timem:s3], [sflag:s2] =	dma.local @!p0 [hbm:s0], s1  }
0x61: {  	s0 =	simm.s32 @!p0 $0x2  }
0x62: {  	_ =	swait.ge @!p0 [sflag:s0], s1  }
0x63: {  	s1 =	ssub.s32 @!p0 $0x0, s1;
	[sflag:s0] =	ssyncset.done @!p0 $0x0  }
0x64: {  	[sflag:s0] =	ssyncadd.s32 @!p0 s1  }
0x65: {  	[bflag:$0x3] =	sbarrier.arrive $0xFFFF  }
0x66: {  	_ =	shalt  }

</sc_bundles>
